<compile_context>
chip_gen: v7x
topology: tpu7x:2x2x1
jax: 0.10.2.dev20260603
libtpu: 0.0.44.dev20260713+nightly
codegen_flags: <defaults>
</compile_context>

<pallas_src>
import jax
import jax.numpy as jnp
from jax import lax
from jax.experimental import pallas as pl
from jax.experimental.pallas import tpu as pltpu
from jax.experimental.pallas import tpu_sc as plsc

_B = 512
_N = 10000
_D_IN = 256
_DIM = 512
_NUMK = 32
_BN_EPS = 1e-5
_NTOT = _B + _N
_NPAD = 10752
_CT = 512
_NC = _NPAD // _CT
_NW = 32
_RPW = _B // _NW
_NCAND = _NC * _NUMK


def _dist_body(x_ref, A_ref, be_ref, s1_ref, b1_ref, B0_ref, bl0_ref,
               B1_ref, bl1_ref, sf_ref, bf_ref,
               d_out_ref, cols_ref, u_ref, e_ref, m_ref):
    c = pl.program_id(0)

    h = jnp.dot(x_ref[...], A_ref[...], preferred_element_type=jnp.float32)
    h = h + be_ref[...]
    z = h * s1_ref[...] + b1_ref[...]
    z = jnp.dot(z, B0_ref[...],
                preferred_element_type=jnp.float32) + bl0_ref[...]
    z = jnp.maximum(z, 0.0)
    z = jnp.dot(z, B1_ref[...],
                preferred_element_type=jnp.float32) + bl1_ref[...]
    h = h + z
    ec = h * sf_ref[...] + bf_ref[...]
    e_ref[c] = ec

    q = e_ref[0]
    qs = jnp.sum(q * q, axis=1, keepdims=True)
    cs = jnp.sum(ec * ec, axis=1)[None, :]
    p = lax.dot_general(q, ec, (((1,), (1,)), ((), ())),
                        preferred_element_type=jnp.float32)
    sq = qs + cs - 2.0 * p
    d = jnp.sqrt(jnp.maximum(sq, 1e-12))

    gcol = c * _CT + lax.broadcasted_iota(jnp.int32, (_B, _CT), 1)
    grow = lax.broadcasted_iota(jnp.int32, (_B, _CT), 0)
    bad = (gcol >= _NTOT) | (gcol == grow)
    d = jnp.where(bad, jnp.inf, d)
    d_out_ref[...] = d

    mprev = m_ref[...]
    m_ref[...] = jnp.where(c == 0, d, jnp.minimum(mprev, d))

    @pl.when(c == _NC - 1)
    def _finish():
        lane = lax.broadcasted_iota(jnp.int32, (_B, _CT), 1)
        kio = lax.broadcasted_iota(jnp.int32, (_B, _NUMK), 1)
        big = jnp.int32(2 ** 30)

        def step(k, carry):
            M, cols, _ = carry
            m = jnp.min(M, axis=1, keepdims=True)
            eq = M == m
            j = jnp.min(jnp.where(eq, lane, big), axis=1, keepdims=True)
            M = jnp.where(lane == j, jnp.inf, M)
            cols = jnp.where(kio == k, j, cols)
            return M, cols, m

        cols0 = jnp.zeros((_B, _NUMK), jnp.int32)
        u0 = jnp.zeros((_B, 1), jnp.float32)
        _, cols, u = lax.fori_loop(0, _NUMK, step, (m_ref[...], cols0, u0))
        cols_ref[...] = cols
        u_ref[...] = u


def _sc_select(d_hbm, cy_hbm, cols_hbm, u_hbm, out_hbm,
               cy_buf, row_buf, cols_buf, u_buf, out_buf, dsem, csem):
    wid = lax.axis_index("s") * 2 + lax.axis_index("c")
    base = wid * _RPW
    lane16 = lax.broadcasted_iota(jnp.int32, (16,), 0)
    lane0 = lane16 == 0
    inf16 = jnp.full((16,), jnp.inf, jnp.float32)

    pltpu.async_copy(d_hbm.at[pl.ds(base, 1)], row_buf.at[pl.ds(0, 1)], dsem)
    pltpu.async_copy(cols_hbm.at[pl.ds(base, 1)], cols_buf.at[pl.ds(0, 1)],
                     csem)
    pltpu.sync_copy(u_hbm.at[pl.ds(base, _RPW)], u_buf)
    pltpu.sync_copy(cy_hbm, cy_buf)

    def row_loop(i, _):
        row = base + i
        b = lax.rem(i, 2)
        pltpu.make_async_copy(d_hbm.at[pl.ds(row, 1)],
                              row_buf.at[pl.ds(b, 1)], dsem).wait()
        pltpu.make_async_copy(cols_hbm.at[pl.ds(row, 1)],
                              cols_buf.at[pl.ds(b, 1)], csem).wait()

        @pl.when(i + 1 < _RPW)
        def _prefetch():
            pltpu.async_copy(d_hbm.at[pl.ds(row + 1, 1)],
                             row_buf.at[pl.ds(1 - b, 1)], dsem)
            pltpu.async_copy(cols_hbm.at[pl.ds(row + 1, 1)],
                             cols_buf.at[pl.ds(1 - b, 1)], csem)

        bsplat = jnp.full((16,), b, jnp.int32)
        usplat = plsc.load_gather(u_buf, [jnp.full((16,), i, jnp.int32)])

        def stream(p, carry):
            for h in range(2):
                s0k, s0v, s1k, s1v = carry
                colv = plsc.load_gather(cols_buf, [bsplat, lane16 + h * 16])
                idx = colv + p * _CT
                dv = plsc.load_gather(row_buf, [bsplat, idx])
                keep = dv <= usplat
                cnt = plsc.all_reduce_population_count(keep)[0]

                def merge(op):
                    s0k, s0v, s1k, s1v, dv, idx = op
                    bk, bv = plsc.sort_key_val(dv, idx)
                    rbk = lax.rev(bk, (0,))
                    rbv = lax.rev(bv, (0,))
                    cm = s1k <= rbk
                    l1k = jnp.where(cm, s1k, rbk)
                    l1v = jnp.where(cm, s1v, rbv)
                    c2 = s0k <= l1k
                    m0k = jnp.where(c2, s0k, l1k)
                    m0v = jnp.where(c2, s0v, l1v)
                    m1k = jnp.where(c2, l1k, s0k)
                    m1v = jnp.where(c2, l1v, s0v)
                    n0k, n0v = plsc.sort_key_val(m0k, m0v)
                    n1k, n1v = plsc.sort_key_val(m1k, m1v)
                    return n0k, n0v, n1k, n1v

                def skip(op):
                    s0k, s0v, s1k, s1v, _, _ = op
                    return s0k, s0v, s1k, s1v

                carry = lax.cond(cnt > 0, merge, skip,
                                 (s0k, s0v, s1k, s1v, dv, idx))
            return carry

        zi = jnp.zeros((16,), jnp.int32)
        s0k, s0v, s1k, s1v = lax.fori_loop(
            0, _NC, stream, (inf16, zi, inf16, zi))

        d1 = jnp.min(s0k)
        d1s = jnp.broadcast_to(d1, (16,))
        w0 = jnp.exp(d1s - s0k)
        w1 = jnp.exp(d1s - s1k)
        cy0 = plsc.load_gather(cy_buf, [s0v])
        cy1 = plsc.load_gather(cy_buf, [s1v])
        num = jnp.broadcast_to(jnp.sum(w0 * cy0 + w1 * cy1), (16,))
        den = jnp.broadcast_to(jnp.sum(w0 + w1), (16,))
        res = num / den
        plsc.store_scatter(out_buf, [jnp.full((16,), i, jnp.int32)], res,
                           mask=lane0)
        return 0

    lax.fori_loop(0, _RPW, row_loop, 0)
    pltpu.sync_copy(out_buf, out_hbm.at[pl.ds(base, _RPW)])


def kernel(x, y, candidate_x, candidate_y, context_size, is_train,
           enc_W, enc_b, bn1_g, bn1_b, l0_W, l0_b, l1_W, l1_b, bnf_g, bnf_b):
    inv = 1.0 / jnp.sqrt(1.0 + _BN_EPS)
    s1 = (bn1_g * inv)[None, :]
    sf = (bnf_g * inv)[None, :]

    xall = jnp.concatenate([x, candidate_x], axis=0)
    xall = jnp.pad(xall, ((0, _NPAD - _NTOT), (0, 0)))

    d, cols, u = pl.pallas_call(
        _dist_body,
        grid=(_NC,),
        in_specs=[
            pl.BlockSpec((_CT, _D_IN), lambda c: (c, 0)),
            pl.BlockSpec((_D_IN, _DIM), lambda c: (0, 0)),
            pl.BlockSpec((1, _DIM), lambda c: (0, 0)),
            pl.BlockSpec((1, _DIM), lambda c: (0, 0)),
            pl.BlockSpec((1, _DIM), lambda c: (0, 0)),
            pl.BlockSpec((_DIM, _DIM), lambda c: (0, 0)),
            pl.BlockSpec((1, _DIM), lambda c: (0, 0)),
            pl.BlockSpec((_DIM, _DIM), lambda c: (0, 0)),
            pl.BlockSpec((1, _DIM), lambda c: (0, 0)),
            pl.BlockSpec((1, _DIM), lambda c: (0, 0)),
            pl.BlockSpec((1, _DIM), lambda c: (0, 0)),
        ],
        out_specs=[
            pl.BlockSpec((_B, _CT), lambda c: (0, c)),
            pl.BlockSpec((_B, _NUMK), lambda c: (0, 0)),
            pl.BlockSpec((_B, 1), lambda c: (0, 0)),
        ],
        out_shape=[
            jax.ShapeDtypeStruct((_B, _NPAD), jnp.float32),
            jax.ShapeDtypeStruct((_B, _NUMK), jnp.int32),
            jax.ShapeDtypeStruct((_B, 1), jnp.float32),
        ],
        scratch_shapes=[
            pltpu.VMEM((_NC, _CT, _DIM), jnp.float32),
            pltpu.VMEM((_B, _CT), jnp.float32),
        ],
        compiler_params=pltpu.CompilerParams(
            dimension_semantics=("arbitrary",)),
    )(xall, enc_W.T, enc_b[None, :], s1, bn1_b[None, :], l0_W.T,
      l0_b[None, :], l1_W.T, l1_b[None, :], sf, bnf_b[None, :])

    cy = jnp.concatenate([y, candidate_y], axis=0)
    cy = jnp.pad(cy, (0, _NPAD - _NTOT))

    sc = pl.kernel(
        _sc_select,
        out_type=jax.ShapeDtypeStruct((_B,), jnp.float32),
        mesh=plsc.VectorSubcoreMesh(core_axis_name="c", subcore_axis_name="s"),
        scratch_types=[
            pltpu.VMEM((_NPAD,), jnp.float32),
            pltpu.VMEM((2, _NPAD), jnp.float32),
            pltpu.VMEM((2, _NUMK), jnp.int32),
            pltpu.VMEM((_RPW,), jnp.float32),
            pltpu.VMEM((_RPW,), jnp.float32),
            pltpu.SemaphoreType.DMA,
            pltpu.SemaphoreType.DMA,
        ],
        compiler_params=pltpu.CompilerParams(needs_layout_passes=False),
    )
    return sc(d, cy, cols, u[:, 0])

# --- scband reference (transcript-rebuilt; emitter-appended) ---
"""Pipeline reference for scband-match-net-21689584845320 (READ-ONLY COPY).

The authoritative reference and input builder live on the scoring server;
editing this copy changes nothing except your own understanding.
"""

import jax, jax.numpy as jnp
import numpy as np

B, N, D_IN, DIM, D_BLOCK, NUMK, T = 512, 10000, 256, 512, 512, 32, 1.0
BN_EPS = 1e-5

def _bn_eval(h, g, b):
    # BatchNorm1d in eval mode with fresh running stats (mean=0, var=1)
    return (h / jnp.sqrt(1.0 + BN_EPS)) * g + b

def _encode(h, enc_W, enc_b, bn1_g, bn1_b, l0_W, l0_b, l1_W, l1_b, bnf_g, bnf_b):
    h = h @ enc_W.T + enc_b
    z = _bn_eval(h, bn1_g, bn1_b)
    z = jax.nn.relu(z @ l0_W.T + l0_b)
    z = z @ l1_W.T + l1_b
    h = h + z
    return _bn_eval(h, bnf_g, bnf_b)

def setup_inputs(seed: int = 0):
    key = jax.random.key(seed)
    ks = jax.random.split(key, 8)
    return {
        "x": jax.random.normal(ks[0], (B, D_IN), dtype=jnp.float32),
        "y": jax.random.normal(ks[1], (B,), dtype=jnp.float32),
        "candidate_x": jax.random.normal(ks[2], (N, D_IN), dtype=jnp.float32),
        "candidate_y": jax.random.normal(ks[3], (N,), dtype=jnp.float32),
        "context_size": 96,
        "is_train": True,
        "enc_W": jax.random.normal(ks[4], (DIM, D_IN), dtype=jnp.float32) / np.sqrt(D_IN),
        "enc_b": jnp.zeros((DIM,), jnp.float32),
        "bn1_g": jnp.ones((DIM,), jnp.float32),
        "bn1_b": jnp.zeros((DIM,), jnp.float32),
        "l0_W": jax.random.normal(ks[5], (D_BLOCK, DIM), dtype=jnp.float32) / np.sqrt(DIM),
        "l0_b": jnp.zeros((D_BLOCK,), jnp.float32),
        "l1_W": jax.random.normal(ks[6], (DIM, D_BLOCK), dtype=jnp.float32) / np.sqrt(D_BLOCK),
        "l1_b": jnp.zeros((DIM,), jnp.float32),
        "bnf_g": jnp.ones((DIM,), jnp.float32),
        "bnf_b": jnp.zeros((DIM,), jnp.float32),
    }

def reference(x, y, candidate_x, candidate_y, context_size, is_train, enc_W, enc_b, bn1_g, bn1_b, l0_W, l0_b, l1_W, l1_b, bnf_g, bnf_b):
    params = (enc_W, enc_b, bn1_g, bn1_b, l0_W, l0_b, l1_W, l1_b, bnf_g, bnf_b)
    # is_train=True with sample_rate=1.0: randperm selects ALL candidates in some order;
    # the final output is permutation-invariant, so we use identity order here.
    x_e = _encode(x, *params)
    c_e = _encode(candidate_x, *params)
    cand = jnp.concatenate([x_e, c_e], axis=0)
    cy = jnp.concatenate([y, candidate_y], axis=0)[:, None]
    sq = (jnp.sum(x_e * x_e, axis=1, keepdims=True)
          + jnp.sum(cand * cand, axis=1)[None, :]
          - 2.0 * (x_e @ cand.T))
    d = jnp.sqrt(jnp.maximum(sq, 1e-12)) / T
    ii = jnp.arange(x_e.shape[0])
    d = d.at[ii, ii].set(jnp.inf)  # fill_diagonal_(inf)
    neg_top, idx = jax.lax.top_k(-d, NUMK)  # smallest NUMK distances
    dist_k = -neg_top
    w = jax.nn.softmax(-dist_k, axis=-1)
    cy_k = cy[idx]  # gather: [B, NUMK, 1]
    logits = jnp.sum(w[..., None] * cy_k, axis=1)  # [B, 1]
    return logits.squeeze()

if __name__ == "__main__":
    import jax
    _d = setup_inputs()
    print(jax.jit(kernel)(*tuple(_d.values())))

</pallas_src>

<mosaic_0001>
#map = affine_map<(d0, d1) -> (0, 0)>
#map1 = affine_map<(d0, d1) -> (0)>
module attributes {stable_mosaic.version = 14 : i64} {
  func.func @_sc_select(%arg0: i32, %arg1: i32, %arg2: memref<512x10752xf32, #tpu.memory_space<hbm>>, %arg3: memref<10752xf32, #tpu.memory_space<hbm>>, %arg4: memref<512x32xi32, #tpu.memory_space<hbm>>, %arg5: memref<512xf32, #tpu.memory_space<hbm>>, %arg6: memref<512xf32, #tpu.memory_space<hbm>>, %arg7: memref<10752xf32, #tpu.memory_space<vmem>>, %arg8: memref<2x10752xf32, #tpu.memory_space<vmem>>, %arg9: memref<2x32xi32, #tpu.memory_space<vmem>>, %arg10: memref<16xf32, #tpu.memory_space<vmem>>, %arg11: memref<16xf32, #tpu.memory_space<vmem>>, %arg12: memref<!tpu.dma_semaphore, #tpu.memory_space<semaphore_mem>>, %arg13: memref<!tpu.dma_semaphore, #tpu.memory_space<semaphore_mem>>) attributes {dimension_semantics = [#tpu.dimension_semantics<core_parallel>, #tpu.dimension_semantics<subcore_parallel>], iteration_bounds = array<i64: 2, 16>, scalar_prefetch = 0 : i64, scratch_operands = 7 : i64, tpu.core_type = #tpu.core_type<sc_vector_subcore>, window_params = [{transform_indices = #map}, {transform_indices = #map1}, {transform_indices = #map}, {transform_indices = #map1}, {transform_indices = #map1}]} {
    %mul3A = arith.constant 2 : i32
    %mul3A_0 = arith.muli %arg1, %mul3A : i32
    %add3A = arith.addi %mul3A_0, %arg0 : i32
    %mul3A_1 = arith.constant 16 : i32
    %mul3A_2 = arith.muli %add3A, %mul3A_1 : i32
    %iota3A = tpu.iota {dimensions = array<i32: 0>} : vector<16xi32>
    %eq3A = arith.constant 0 : i32
    %eq3A_3 = vector.broadcast %eq3A : i32 to vector<16xi32>
    %eq3A_4 = arith.cmpi eq, %iota3A, %eq3A_3 : vector<16xi32>
    %broadcast_in_dim3A = arith.constant 0x7F800000 : f32
    %broadcast_in_dim3A_5 = vector.broadcast %broadcast_in_dim3A : f32 to vector<16xf32>
    %dma_start3A = arith.constant 0 : i32
    %dma_start3A_6 = arith.constant 0 : i32
    %dma_start3A_7 = tpu.memref_slice %arg8[%dma_start3A, %dma_start3A_6] : memref<2x10752xf32, #tpu.memory_space<vmem>> -> memref<1x10752xf32, #tpu.memory_space<vmem>>
    %dma_start3A_8 = arith.constant 0 : i32
    %dma_start3A_9 = tpu.memref_slice %arg2[%mul3A_2, %dma_start3A_8] : memref<512x10752xf32, #tpu.memory_space<hbm>> -> memref<1x10752xf32, #tpu.memory_space<hbm>>
    %dma_start3A_10 = arith.constant 0 : i32
    %dma_start3A_11 = arith.constant 0 : i32
    %dma_start3A_12 = tpu.memref_slice %arg8[%dma_start3A_10, %dma_start3A_11] : memref<2x10752xf32, #tpu.memory_space<vmem>> -> memref<1x10752xf32, #tpu.memory_space<vmem>>
    %dma_start3A_13 = arith.constant 0 : i32
    %dma_start3A_14 = tpu.memref_slice %arg2[%mul3A_2, %dma_start3A_13] : memref<512x10752xf32, #tpu.memory_space<hbm>> -> memref<1x10752xf32, #tpu.memory_space<hbm>>
    tpu.enqueue_dma source(%dma_start3A_14 : memref<1x10752xf32, #tpu.memory_space<hbm>>) target(%dma_start3A_12 : memref<1x10752xf32, #tpu.memory_space<vmem>>) target_semaphore(%arg12 : memref<!tpu.dma_semaphore, #tpu.memory_space<semaphore_mem>>)
    %dma_start3A_15 = arith.constant 0 : i32
    %dma_start3A_16 = arith.constant 0 : i32
    %dma_start3A_17 = tpu.memref_slice %arg9[%dma_start3A_15, %dma_start3A_16] : memref<2x32xi32, #tpu.memory_space<vmem>> -> memref<1x32xi32, #tpu.memory_space<vmem>>
    %dma_start3A_18 = arith.constant 0 : i32
    %dma_start3A_19 = tpu.memref_slice %arg4[%mul3A_2, %dma_start3A_18] : memref<512x32xi32, #tpu.memory_space<hbm>> -> memref<1x32xi32, #tpu.memory_space<hbm>>
    %dma_start3A_20 = arith.constant 0 : i32
    %dma_start3A_21 = arith.constant 0 : i32
    %dma_start3A_22 = tpu.memref_slice %arg9[%dma_start3A_20, %dma_start3A_21] : memref<2x32xi32, #tpu.memory_space<vmem>> -> memref<1x32xi32, #tpu.memory_space<vmem>>
    %dma_start3A_23 = arith.constant 0 : i32
    %dma_start3A_24 = tpu.memref_slice %arg4[%mul3A_2, %dma_start3A_23] : memref<512x32xi32, #tpu.memory_space<hbm>> -> memref<1x32xi32, #tpu.memory_space<hbm>>
    tpu.enqueue_dma source(%dma_start3A_24 : memref<1x32xi32, #tpu.memory_space<hbm>>) target(%dma_start3A_22 : memref<1x32xi32, #tpu.memory_space<vmem>>) target_semaphore(%arg13 : memref<!tpu.dma_semaphore, #tpu.memory_space<semaphore_mem>>)
    "tpu.region"() ({
      %run_scoped3A = tpu.sem_alloc : memref<!tpu.dma_semaphore, #tpu.memory_space<semaphore_mem>>
      %dma_start3A_31 = tpu.memref_slice %arg5[%mul3A_2] : memref<512xf32, #tpu.memory_space<hbm>> -> memref<16xf32, #tpu.memory_space<hbm>>
      %dma_start3A_32 = tpu.memref_slice %arg5[%mul3A_2] : memref<512xf32, #tpu.memory_space<hbm>> -> memref<16xf32, #tpu.memory_space<hbm>>
      tpu.enqueue_dma source(%dma_start3A_32 : memref<16xf32, #tpu.memory_space<hbm>>) target(%arg10 : memref<16xf32, #tpu.memory_space<vmem>>) target_semaphore(%run_scoped3A : memref<!tpu.dma_semaphore, #tpu.memory_space<semaphore_mem>>)
      %dma_wait3A = tpu.memref_slice %arg5[%mul3A_2] : memref<512xf32, #tpu.memory_space<hbm>> -> memref<16xf32, #tpu.memory_space<hbm>>
      %dma_wait3A_33 = tpu.memref_slice %arg5[%mul3A_2] : memref<512xf32, #tpu.memory_space<hbm>> -> memref<16xf32, #tpu.memory_space<hbm>>
      tpu.wait_dma2 semaphore(%run_scoped3A : memref<!tpu.dma_semaphore, #tpu.memory_space<semaphore_mem>>) src(%dma_wait3A_33 : memref<16xf32, #tpu.memory_space<hbm>>) dst(%arg10 : memref<16xf32, #tpu.memory_space<vmem>>)
      tpu.yield
    }) : () -> ()
    "tpu.region"() ({
      %run_scoped3A = tpu.sem_alloc : memref<!tpu.dma_semaphore, #tpu.memory_space<semaphore_mem>>
      tpu.enqueue_dma source(%arg3 : memref<10752xf32, #tpu.memory_space<hbm>>) target(%arg7 : memref<10752xf32, #tpu.memory_space<vmem>>) target_semaphore(%run_scoped3A : memref<!tpu.dma_semaphore, #tpu.memory_space<semaphore_mem>>)
      tpu.wait_dma2 semaphore(%run_scoped3A : memref<!tpu.dma_semaphore, #tpu.memory_space<semaphore_mem>>) src(%arg3 : memref<10752xf32, #tpu.memory_space<hbm>>) dst(%arg7 : memref<10752xf32, #tpu.memory_space<vmem>>)
      tpu.yield
    }) : () -> ()
    %scan3A = arith.constant 0 : i32
    %scan3A_25 = arith.constant 0 : i32
    %scan3A_26 = arith.constant 16 : i32
    %scan3A_27 = arith.addi %scan3A_25, %scan3A_26 : i32
    %scan3A_28 = arith.constant 1 : i32
    %scan3A_29 = scf.for %scan3A_31 = %scan3A_25 to %scan3A_27 step %scan3A_28 iter_args(%scan3A_32 = %scan3A) -> (i32)  : i32 {
      %add3A_33 = arith.addi %mul3A_2, %scan3A_31 : i32
      %rem3A = arith.constant 2 : i32
      %rem3A_34 = arith.remsi %scan3A_31, %rem3A : i32
      %dma_wait3A = arith.constant 0 : i32
      %dma_wait3A_35 = tpu.memref_slice %arg8[%rem3A_34, %dma_wait3A] : memref<2x10752xf32, #tpu.memory_space<vmem>> -> memref<1x10752xf32, #tpu.memory_space<vmem>>
      %dma_wait3A_36 = arith.constant 0 : i32
      %dma_wait3A_37 = tpu.memref_slice %arg2[%add3A_33, %dma_wait3A_36] : memref<512x10752xf32, #tpu.memory_space<hbm>> -> memref<1x10752xf32, #tpu.memory_space<hbm>>
      %dma_wait3A_38 = arith.constant 0 : i32
      %dma_wait3A_39 = tpu.memref_slice %arg8[%rem3A_34, %dma_wait3A_38] : memref<2x10752xf32, #tpu.memory_space<vmem>> -> memref<1x10752xf32, #tpu.memory_space<vmem>>
      %dma_wait3A_40 = arith.constant 0 : i32
      %dma_wait3A_41 = tpu.memref_slice %arg2[%add3A_33, %dma_wait3A_40] : memref<512x10752xf32, #tpu.memory_space<hbm>> -> memref<1x10752xf32, #tpu.memory_space<hbm>>
      tpu.wait_dma2 semaphore(%arg12 : memref<!tpu.dma_semaphore, #tpu.memory_space<semaphore_mem>>) src(%dma_wait3A_41 : memref<1x10752xf32, #tpu.memory_space<hbm>>) dst(%dma_wait3A_39 : memref<1x10752xf32, #tpu.memory_space<vmem>>)
      %dma_wait3A_42 = arith.constant 0 : i32
      %dma_wait3A_43 = tpu.memref_slice %arg9[%rem3A_34, %dma_wait3A_42] : memref<2x32xi32, #tpu.memory_space<vmem>> -> memref<1x32xi32, #tpu.memory_space<vmem>>
      %dma_wait3A_44 = arith.constant 0 : i32
      %dma_wait3A_45 = tpu.memref_slice %arg4[%add3A_33, %dma_wait3A_44] : memref<512x32xi32, #tpu.memory_space<hbm>> -> memref<1x32xi32, #tpu.memory_space<hbm>>
      %dma_wait3A_46 = arith.constant 0 : i32
      %dma_wait3A_47 = tpu.memref_slice %arg9[%rem3A_34, %dma_wait3A_46] : memref<2x32xi32, #tpu.memory_space<vmem>> -> memref<1x32xi32, #tpu.memory_space<vmem>>
      %dma_wait3A_48 = arith.constant 0 : i32
      %dma_wait3A_49 = tpu.memref_slice %arg4[%add3A_33, %dma_wait3A_48] : memref<512x32xi32, #tpu.memory_space<hbm>> -> memref<1x32xi32, #tpu.memory_space<hbm>>
      tpu.wait_dma2 semaphore(%arg13 : memref<!tpu.dma_semaphore, #tpu.memory_space<semaphore_mem>>) src(%dma_wait3A_49 : memref<1x32xi32, #tpu.memory_space<hbm>>) dst(%dma_wait3A_47 : memref<1x32xi32, #tpu.memory_space<vmem>>)
      %add3A_50 = arith.constant 1 : i32
      %add3A_51 = arith.addi %scan3A_31, %add3A_50 : i32
      %lt3A = arith.constant 16 : i32
      %lt3A_52 = arith.cmpi slt, %add3A_51, %lt3A : i32
      %convert_element_type3A = arith.extui %lt3A_52 : i1 to i32
      %cond3A = arith.constant 0 : i32
      %cond3A_53 = arith.cmpi ne, %convert_element_type3A, %cond3A : i32
      scf.if %cond3A_53 {
        %add3A_87 = arith.constant 1 : i32
        %add3A_88 = arith.addi %add3A_33, %add3A_87 : i32
        %sub3A_89 = arith.constant 1 : i32
        %sub3A_90 = arith.subi %sub3A_89, %rem3A_34 : i32
        %dma_start3A_91 = arith.constant 0 : i32
        %dma_start3A_92 = tpu.memref_slice %arg8[%sub3A_90, %dma_start3A_91] : memref<2x10752xf32, #tpu.memory_space<vmem>> -> memref<1x10752xf32, #tpu.memory_space<vmem>>
        %dma_start3A_93 = arith.constant 0 : i32
        %dma_start3A_94 = tpu.memref_slice %arg2[%add3A_88, %dma_start3A_93] : memref<512x10752xf32, #tpu.memory_space<hbm>> -> memref<1x10752xf32, #tpu.memory_space<hbm>>
        %dma_start3A_95 = arith.constant 0 : i32
        %dma_start3A_96 = tpu.memref_slice %arg8[%sub3A_90, %dma_start3A_95] : memref<2x10752xf32, #tpu.memory_space<vmem>> -> memref<1x10752xf32, #tpu.memory_space<vmem>>
        %dma_start3A_97 = arith.constant 0 : i32
        %dma_start3A_98 = tpu.memref_slice %arg2[%add3A_88, %dma_start3A_97] : memref<512x10752xf32, #tpu.memory_space<hbm>> -> memref<1x10752xf32, #tpu.memory_space<hbm>>
        tpu.enqueue_dma source(%dma_start3A_98 : memref<1x10752xf32, #tpu.memory_space<hbm>>) target(%dma_start3A_96 : memref<1x10752xf32, #tpu.memory_space<vmem>>) target_semaphore(%arg12 : memref<!tpu.dma_semaphore, #tpu.memory_space<semaphore_mem>>)
        %add3A_99 = arith.constant 1 : i32
        %add3A_100 = arith.addi %add3A_33, %add3A_99 : i32
        %sub3A_101 = arith.constant 1 : i32
        %sub3A_102 = arith.subi %sub3A_101, %rem3A_34 : i32
        %dma_start3A_103 = arith.constant 0 : i32
        %dma_start3A_104 = tpu.memref_slice %arg9[%sub3A_102, %dma_start3A_103] : memref<2x32xi32, #tpu.memory_space<vmem>> -> memref<1x32xi32, #tpu.memory_space<vmem>>
        %dma_start3A_105 = arith.constant 0 : i32
        %dma_start3A_106 = tpu.memref_slice %arg4[%add3A_100, %dma_start3A_105] : memref<512x32xi32, #tpu.memory_space<hbm>> -> memref<1x32xi32, #tpu.memory_space<hbm>>
        %dma_start3A_107 = arith.constant 0 : i32
        %dma_start3A_108 = tpu.memref_slice %arg9[%sub3A_102, %dma_start3A_107] : memref<2x32xi32, #tpu.memory_space<vmem>> -> memref<1x32xi32, #tpu.memory_space<vmem>>
        %dma_start3A_109 = arith.constant 0 : i32
        %dma_start3A_110 = tpu.memref_slice %arg4[%add3A_100, %dma_start3A_109] : memref<512x32xi32, #tpu.memory_space<hbm>> -> memref<1x32xi32, #tpu.memory_space<hbm>>
        tpu.enqueue_dma source(%dma_start3A_110 : memref<1x32xi32, #tpu.memory_space<hbm>>) target(%dma_start3A_108 : memref<1x32xi32, #tpu.memory_space<vmem>>) target_semaphore(%arg13 : memref<!tpu.dma_semaphore, #tpu.memory_space<semaphore_mem>>)
      } else {
      }
      %broadcast_in_dim3A_54 = vector.broadcast %rem3A_34 : i32 to vector<16xi32>
      %broadcast_in_dim3A_55 = vector.broadcast %scan3A_31 : i32 to vector<16xi32>
      %gather3A = tpu.vector_load_idx %arg10[%broadcast_in_dim3A_55] : memref<16xf32, #tpu.memory_space<vmem>>[vector<16xi32>], vector<16xf32>,
      %broadcast_in_dim3A_56 = arith.constant 0 : i32
      %broadcast_in_dim3A_57 = vector.broadcast %broadcast_in_dim3A_56 : i32 to vector<16xi32>
      %scan3A_58 = arith.constant 0 : i32
      %scan3A_59 = arith.constant 21 : i32
      %scan3A_60 = arith.addi %scan3A_58, %scan3A_59 : i32
      %scan3A_61 = arith.constant 1 : i32
      %scan3A_62:4 = scf.for %scan3A_87 = %scan3A_58 to %scan3A_60 step %scan3A_61 iter_args(%scan3A_88 = %broadcast_in_dim3A_5, %scan3A_89 = %broadcast_in_dim3A_57, %scan3A_90 = %broadcast_in_dim3A_5, %scan3A_91 = %broadcast_in_dim3A_57) -> (vector<16xf32>, vector<16xi32>, vector<16xf32>, vector<16xi32>)  : i32 {
        %add3A_92 = arith.constant 0 : i32
        %add3A_93 = vector.broadcast %add3A_92 : i32 to vector<16xi32>
        %add3A_94 = arith.addi %iota3A, %add3A_93 : vector<16xi32>
        %gather3A_95 = tpu.vector_load_idx %arg9[%broadcast_in_dim3A_54, %add3A_94] : memref<2x32xi32, #tpu.memory_space<vmem>>[vector<16xi32>, vector<16xi32>], vector<16xi32>,
        %mul3A_96 = arith.constant 512 : i32
        %mul3A_97 = arith.muli %scan3A_87, %mul3A_96 : i32
        %add3A_98 = vector.broadcast %mul3A_97 : i32 to vector<16xi32>
        %add3A_99 = arith.addi %gather3A_95, %add3A_98 : vector<16xi32>
        %gather3A_100 = tpu.vector_load_idx %arg8[%broadcast_in_dim3A_54, %add3A_99] : memref<2x10752xf32, #tpu.memory_space<vmem>>[vector<16xi32>, vector<16xi32>], vector<16xf32>,
        %le3A = arith.cmpf ole, %gather3A_100, %gather3A : vector<16xf32>
        %all_reduce_population_count3A = tpu.all_reduce %le3A {dim = 0 : i64, kind = #tpu.reduction_kind<sum>} : vector<16xi1> -> vector<16xi32>
        %slice3A = vector.extract_strided_slice %all_reduce_population_count3A {offsets = [0], sizes = [1], strides = [1]} : vector<16xi32> to vector<1xi32>
        %squeeze3A = vector.extract %slice3A[0] : i32 from vector<1xi32>
        %gt3A = arith.constant 0 : i32
        %gt3A_101 = arith.cmpi sgt, %squeeze3A, %gt3A : i32
        %convert_element_type3A_102 = arith.extui %gt3A_101 : i1 to i32
        %cond3A_103 = arith.constant 0 : i32
        %cond3A_104 = arith.cmpi ne, %convert_element_type3A_102, %cond3A_103 : i32
        %cond3A_105:4 = scf.if %cond3A_104 -> (vector<16xf32>, vector<16xi32>, vector<16xf32>, vector<16xi32>) {
          %masked_sort3A = arith.constant dense<true> : vector<16xi1>
          %masked_sort3A_125, %masked_sort3A_126, %masked_sort3A_127 = tpu.sort %gather3A_100, %add3A_99 masked %masked_sort3A : (vector<16xf32>, vector<16xi32>, vector<16xi1>) -> (vector<16xi1>, vector<16xf32>, vector<16xi32>)
          %rev3A = arith.constant 15 : i32
          %rev3A_128 = vector.broadcast %rev3A : i32 to vector<16xi32>
          %rev3A_129 = tpu.iota {dimensions = array<i32: 0>} : vector<16xi32>
          %rev3A_130 = arith.subi %rev3A_128, %rev3A_129 : vector<16xi32>
          %rev3A_131 = tpu.dynamic_gather %masked_sort3A_126[%rev3A_130] in [0] : vector<16xf32>, vector<16xi32> -> vector<16xf32>
          %rev3A_132 = arith.constant 15 : i32
          %rev3A_133 = vector.broadcast %rev3A_132 : i32 to vector<16xi32>
          %rev3A_134 = tpu.iota {dimensions = array<i32: 0>} : vector<16xi32>
          %rev3A_135 = arith.subi %rev3A_133, %rev3A_134 : vector<16xi32>
          %rev3A_136 = tpu.dynamic_gather %masked_sort3A_127[%rev3A_135] in [0] : vector<16xi32>, vector<16xi32> -> vector<16xi32>
          %le3A_137 = arith.cmpf ole, %scan3A_90, %rev3A_131 : vector<16xf32>
          %select_n3A = arith.select %le3A_137, %scan3A_90, %rev3A_131 : vector<16xi1>, vector<16xf32>
          %select_n3A_138 = arith.select %le3A_137, %scan3A_91, %rev3A_136 : vector<16xi1>, vector<16xi32>
          %le3A_139 = arith.cmpf ole, %scan3A_88, %select_n3A : vector<16xf32>
          %select_n3A_140 = arith.select %le3A_139, %scan3A_88, %select_n3A : vector<16xi1>, vector<16xf32>
          %select_n3A_141 = arith.select %le3A_139, %scan3A_89, %select_n3A_138 : vector<16xi1>, vector<16xi32>
          %select_n3A_142 = arith.select %le3A_139, %select_n3A, %scan3A_88 : vector<16xi1>, vector<16xf32>
          %select_n3A_143 = arith.select %le3A_139, %select_n3A_138, %scan3A_89 : vector<16xi1>, vector<16xi32>
          %masked_sort3A_144 = arith.constant dense<true> : vector<16xi1>
          %masked_sort3A_145, %masked_sort3A_146, %masked_sort3A_147 = tpu.sort %select_n3A_140, %select_n3A_141 masked %masked_sort3A_144 : (vector<16xf32>, vector<16xi32>, vector<16xi1>) -> (vector<16xi1>, vector<16xf32>, vector<16xi32>)
          %masked_sort3A_148 = arith.constant dense<true> : vector<16xi1>
          %masked_sort3A_149, %masked_sort3A_150, %masked_sort3A_151 = tpu.sort %select_n3A_142, %select_n3A_143 masked %masked_sort3A_148 : (vector<16xf32>, vector<16xi32>, vector<16xi1>) -> (vector<16xi1>, vector<16xf32>, vector<16xi32>)
          scf.yield %masked_sort3A_146, %masked_sort3A_147, %masked_sort3A_150, %masked_sort3A_151 : vector<16xf32>, vector<16xi32>, vector<16xf32>, vector<16xi32>
        } else {
          scf.yield %scan3A_88, %scan3A_89, %scan3A_90, %scan3A_91 : vector<16xf32>, vector<16xi32>, vector<16xf32>, vector<16xi32>
        }
        %add3A_106 = arith.constant 16 : i32
        %add3A_107 = vector.broadcast %add3A_106 : i32 to vector<16xi32>
        %add3A_108 = arith.addi %iota3A, %add3A_107 : vector<16xi32>
        %gather3A_109 = tpu.vector_load_idx %arg9[%broadcast_in_dim3A_54, %add3A_108] : memref<2x32xi32, #tpu.memory_space<vmem>>[vector<16xi32>, vector<16xi32>], vector<16xi32>,
        %mul3A_110 = arith.constant 512 : i32
        %mul3A_111 = arith.muli %scan3A_87, %mul3A_110 : i32
        %add3A_112 = vector.broadcast %mul3A_111 : i32 to vector<16xi32>
        %add3A_113 = arith.addi %gather3A_109, %add3A_112 : vector<16xi32>
        %gather3A_114 = tpu.vector_load_idx %arg8[%broadcast_in_dim3A_54, %add3A_113] : memref<2x10752xf32, #tpu.memory_space<vmem>>[vector<16xi32>, vector<16xi32>], vector<16xf32>,
        %le3A_115 = arith.cmpf ole, %gather3A_114, %gather3A : vector<16xf32>
        %all_reduce_population_count3A_116 = tpu.all_reduce %le3A_115 {dim = 0 : i64, kind = #tpu.reduction_kind<sum>} : vector<16xi1> -> vector<16xi32>
        %slice3A_117 = vector.extract_strided_slice %all_reduce_population_count3A_116 {offsets = [0], sizes = [1], strides = [1]} : vector<16xi32> to vector<1xi32>
        %squeeze3A_118 = vector.extract %slice3A_117[0] : i32 from vector<1xi32>
        %gt3A_119 = arith.constant 0 : i32
        %gt3A_120 = arith.cmpi sgt, %squeeze3A_118, %gt3A_119 : i32
        %convert_element_type3A_121 = arith.extui %gt3A_120 : i1 to i32
        %cond3A_122 = arith.constant 0 : i32
        %cond3A_123 = arith.cmpi ne, %convert_element_type3A_121, %cond3A_122 : i32
        %cond3A_124:4 = scf.if %cond3A_123 -> (vector<16xf32>, vector<16xi32>, vector<16xf32>, vector<16xi32>) {
          %masked_sort3A = arith.constant dense<true> : vector<16xi1>
          %masked_sort3A_125, %masked_sort3A_126, %masked_sort3A_127 = tpu.sort %gather3A_114, %add3A_113 masked %masked_sort3A : (vector<16xf32>, vector<16xi32>, vector<16xi1>) -> (vector<16xi1>, vector<16xf32>, vector<16xi32>)
          %rev3A = arith.constant 15 : i32
          %rev3A_128 = vector.broadcast %rev3A : i32 to vector<16xi32>
          %rev3A_129 = tpu.iota {dimensions = array<i32: 0>} : vector<16xi32>
          %rev3A_130 = arith.subi %rev3A_128, %rev3A_129 : vector<16xi32>
          %rev3A_131 = tpu.dynamic_gather %masked_sort3A_126[%rev3A_130] in [0] : vector<16xf32>, vector<16xi32> -> vector<16xf32>
          %rev3A_132 = arith.constant 15 : i32
          %rev3A_133 = vector.broadcast %rev3A_132 : i32 to vector<16xi32>
          %rev3A_134 = tpu.iota {dimensions = array<i32: 0>} : vector<16xi32>
          %rev3A_135 = arith.subi %rev3A_133, %rev3A_134 : vector<16xi32>
          %rev3A_136 = tpu.dynamic_gather %masked_sort3A_127[%rev3A_135] in [0] : vector<16xi32>, vector<16xi32> -> vector<16xi32>
          %le3A_137 = arith.cmpf ole, %cond3A_105#2, %rev3A_131 : vector<16xf32>
          %select_n3A = arith.select %le3A_137, %cond3A_105#2, %rev3A_131 : vector<16xi1>, vector<16xf32>
          %select_n3A_138 = arith.select %le3A_137, %cond3A_105#3, %rev3A_136 : vector<16xi1>, vector<16xi32>
          %le3A_139 = arith.cmpf ole, %cond3A_105#0, %select_n3A : vector<16xf32>
          %select_n3A_140 = arith.select %le3A_139, %cond3A_105#0, %select_n3A : vector<16xi1>, vector<16xf32>
          %select_n3A_141 = arith.select %le3A_139, %cond3A_105#1, %select_n3A_138 : vector<16xi1>, vector<16xi32>
          %select_n3A_142 = arith.select %le3A_139, %select_n3A, %cond3A_105#0 : vector<16xi1>, vector<16xf32>
          %select_n3A_143 = arith.select %le3A_139, %select_n3A_138, %cond3A_105#1 : vector<16xi1>, vector<16xi32>
          %masked_sort3A_144 = arith.constant dense<true> : vector<16xi1>
          %masked_sort3A_145, %masked_sort3A_146, %masked_sort3A_147 = tpu.sort %select_n3A_140, %select_n3A_141 masked %masked_sort3A_144 : (vector<16xf32>, vector<16xi32>, vector<16xi1>) -> (vector<16xi1>, vector<16xf32>, vector<16xi32>)
          %masked_sort3A_148 = arith.constant dense<true> : vector<16xi1>
          %masked_sort3A_149, %masked_sort3A_150, %masked_sort3A_151 = tpu.sort %select_n3A_142, %select_n3A_143 masked %masked_sort3A_148 : (vector<16xf32>, vector<16xi32>, vector<16xi1>) -> (vector<16xi1>, vector<16xf32>, vector<16xi32>)
          scf.yield %masked_sort3A_146, %masked_sort3A_147, %masked_sort3A_150, %masked_sort3A_151 : vector<16xf32>, vector<16xi32>, vector<16xf32>, vector<16xi32>
        } else {
          scf.yield %cond3A_105#0, %cond3A_105#1, %cond3A_105#2, %cond3A_105#3 : vector<16xf32>, vector<16xi32>, vector<16xf32>, vector<16xi32>
        }
        scf.yield %cond3A_124#0, %cond3A_124#1, %cond3A_124#2, %cond3A_124#3 : vector<16xf32>, vector<16xi32>, vector<16xf32>, vector<16xi32>
      }
      %scan3A_63 = arith.constant 21 : i32
      %reduce_min3A = arith.constant true
      %reduce_min3A_64 = vector.broadcast %reduce_min3A : i1 to vector<16xi1>
      %reduce_min3A_65 = tpu.scan <min>, %scan3A_62#0 masked %reduce_min3A_64 : vector<16xf32>, vector<16xi1> -> vector<16xf32>
      %reduce_min3A_66 = vector.extract %reduce_min3A_65[15] : f32 from vector<16xf32>
      %broadcast_in_dim3A_67 = vector.broadcast %reduce_min3A_66 : f32 to vector<16xf32>
      %sub3A = arith.subf %broadcast_in_dim3A_67, %scan3A_62#0 : vector<16xf32>
      %exp3A = math.exp %sub3A : vector<16xf32>
      %sub3A_68 = arith.subf %broadcast_in_dim3A_67, %scan3A_62#2 : vector<16xf32>
      %exp3A_69 = math.exp %sub3A_68 : vector<16xf32>
      %gather3A_70 = tpu.vector_load_idx %arg7[%scan3A_62#1] : memref<10752xf32, #tpu.memory_space<vmem>>[vector<16xi32>], vector<16xf32>,
      %gather3A_71 = tpu.vector_load_idx %arg7[%scan3A_62#3] : memref<10752xf32, #tpu.memory_space<vmem>>[vector<16xi32>], vector<16xf32>,
      %mul3A_72 = arith.mulf %exp3A, %gather3A_70 : vector<16xf32>
      %mul3A_73 = arith.mulf %exp3A_69, %gather3A_71 : vector<16xf32>
      %add3A_74 = arith.addf %mul3A_72, %mul3A_73 : vector<16xf32>
      %reduce_sum3A = arith.constant true
      %reduce_sum3A_75 = vector.broadcast %reduce_sum3A : i1 to vector<16xi1>
      %reduce_sum3A_76 = tpu.scan <sum>, %add3A_74 masked %reduce_sum3A_75 : vector<16xf32>, vector<16xi1> -> vector<16xf32>
      %reduce_sum3A_77 = vector.extract %reduce_sum3A_76[15] : f32 from vector<16xf32>
      %broadcast_in_dim3A_78 = vector.broadcast %reduce_sum3A_77 : f32 to vector<16xf32>
      %add3A_79 = arith.addf %exp3A, %exp3A_69 : vector<16xf32>
      %reduce_sum3A_80 = arith.constant true
      %reduce_sum3A_81 = vector.broadcast %reduce_sum3A_80 : i1 to vector<16xi1>
      %reduce_sum3A_82 = tpu.scan <sum>, %add3A_79 masked %reduce_sum3A_81 : vector<16xf32>, vector<16xi1> -> vector<16xf32>
      %reduce_sum3A_83 = vector.extract %reduce_sum3A_82[15] : f32 from vector<16xf32>
      %broadcast_in_dim3A_84 = vector.broadcast %reduce_sum3A_83 : f32 to vector<16xf32>
      %div3A = arith.divf %broadcast_in_dim3A_78, %broadcast_in_dim3A_84 : vector<16xf32>
      %broadcast_in_dim3A_85 = vector.broadcast %scan3A_31 : i32 to vector<16xi32>
      tpu.vector_store_idx %arg11[%broadcast_in_dim3A_85], %div3A masked %eq3A_4 : memref<16xf32, #tpu.memory_space<vmem>>[vector<16xi32>], vector<16xf32>, vector<16xi1>
      %scan3A_86 = arith.constant 0 : i32
      scf.yield %scan3A_86 : i32
    }
    %scan3A_30 = arith.constant 16 : i32
    "tpu.region"() ({
      %run_scoped3A = tpu.sem_alloc : memref<!tpu.dma_semaphore, #tpu.memory_space<semaphore_mem>>
      %dma_start3A_31 = tpu.memref_slice %arg6[%mul3A_2] : memref<512xf32, #tpu.memory_space<hbm>> -> memref<16xf32, #tpu.memory_space<hbm>>
      %dma_start3A_32 = tpu.memref_slice %arg6[%mul3A_2] : memref<512xf32, #tpu.memory_space<hbm>> -> memref<16xf32, #tpu.memory_space<hbm>>
      tpu.enqueue_dma source(%arg11 : memref<16xf32, #tpu.memory_space<vmem>>) target(%dma_start3A_32 : memref<16xf32, #tpu.memory_space<hbm>>) target_semaphore(%run_scoped3A : memref<!tpu.dma_semaphore, #tpu.memory_space<semaphore_mem>>)
      %dma_wait3A = tpu.memref_slice %arg6[%mul3A_2] : memref<512xf32, #tpu.memory_space<hbm>> -> memref<16xf32, #tpu.memory_space<hbm>>
      %dma_wait3A_33 = tpu.memref_slice %arg6[%mul3A_2] : memref<512xf32, #tpu.memory_space<hbm>> -> memref<16xf32, #tpu.memory_space<hbm>>
      tpu.wait_dma2 semaphore(%run_scoped3A : memref<!tpu.dma_semaphore, #tpu.memory_space<semaphore_mem>>) src(%arg11 : memref<16xf32, #tpu.memory_space<vmem>>) dst(%dma_wait3A_33 : memref<16xf32, #tpu.memory_space<hbm>>)
      tpu.yield
    }) : () -> ()
    return
  }
}

module attributes {stable_mosaic.version = 14 : i64} {
  func.func @_dist_body(%arg0: i32, %arg1: memref<512x256xf32, #tpu.memory_space<vmem>>, %arg2: memref<256x512xf32, #tpu.memory_space<vmem>>, %arg3: memref<1x512xf32, #tpu.memory_space<vmem>>, %arg4: memref<1x512xf32, #tpu.memory_space<vmem>>, %arg5: memref<1x512xf32, #tpu.memory_space<vmem>>, %arg6: memref<512x512xf32, #tpu.memory_space<vmem>>, %arg7: memref<1x512xf32, #tpu.memory_space<vmem>>, %arg8: memref<512x512xf32, #tpu.memory_space<vmem>>, %arg9: memref<1x512xf32, #tpu.memory_space<vmem>>, %arg10: memref<1x512xf32, #tpu.memory_space<vmem>>, %arg11: memref<1x512xf32, #tpu.memory_space<vmem>>, %arg12: memref<512x512xf32, #tpu.memory_space<vmem>>, %arg13: memref<512x32xi32, #tpu.memory_space<vmem>>, %arg14: memref<512x1xf32, #tpu.memory_space<vmem>>, %arg15: memref<21x512x512xf32, #tpu.memory_space<vmem>>, %arg16: memref<512x512xf32, #tpu.memory_space<vmem>>) attributes {dimension_semantics = [#tpu.dimension_semantics<arbitrary>], iteration_bounds = array<i64: 21>, scalar_prefetch = 0 : i64, scratch_operands = 2 : i64, tpu.core_type = #tpu.core_type<tc>, window_params = [{transform_indices = @transform_0, window_bounds = array<i64: 512, 256>}, {pipeline_mode = #tpu.pipeline_mode<synchronous>, transform_indices = @transform_1, window_bounds = array<i64: 256, 512>}, {pipeline_mode = #tpu.pipeline_mode<synchronous>, transform_indices = @transform_2, window_bounds = array<i64: 1, 512>}, {pipeline_mode = #tpu.pipeline_mode<synchronous>, transform_indices = @transform_3, window_bounds = array<i64: 1, 512>}, {pipeline_mode = #tpu.pipeline_mode<synchronous>, transform_indices = @transform_4, window_bounds = array<i64: 1, 512>}, {pipeline_mode = #tpu.pipeline_mode<synchronous>, transform_indices = @transform_5, window_bounds = array<i64: 512, 512>}, {pipeline_mode = #tpu.pipeline_mode<synchronous>, transform_indices = @transform_6, window_bounds = array<i64: 1, 512>}, {pipeline_mode = #tpu.pipeline_mode<synchronous>, transform_indices = @transform_7, window_bounds = array<i64: 512, 512>}, {pipeline_mode = #tpu.pipeline_mode<synchronous>, transform_indices = @transform_8, window_bounds = array<i64: 1, 512>}, {pipeline_mode = #tpu.pipeline_mode<synchronous>, transform_indices = @transform_9, window_bounds = array<i64: 1, 512>}, {pipeline_mode = #tpu.pipeline_mode<synchronous>, transform_indices = @transform_10, window_bounds = array<i64: 1, 512>}, {transform_indices = @transform_11, window_bounds = array<i64: 512, 512>}, {pipeline_mode = #tpu.pipeline_mode<synchronous>, transform_indices = @transform_12, window_bounds = array<i64: 512, 32>}, {pipeline_mode = #tpu.pipeline_mode<synchronous>, transform_indices = @transform_13, window_bounds = array<i64: 512, 1>}]} {
    %get3A = arith.constant 0 : index
    %get3A_0 = arith.constant 0 : index
    %get3A_1 = vector.load %arg1[%get3A, %get3A_0] : memref<512x256xf32, #tpu.memory_space<vmem>>, vector<512x256xf32>
    %get3A_2 = arith.constant 0 : index
    %get3A_3 = arith.constant 0 : index
    %get3A_4 = vector.load %arg2[%get3A_2, %get3A_3] : memref<256x512xf32, #tpu.memory_space<vmem>>, vector<256x512xf32>
    %dot_general3A = arith.constant dense<0.000000e+00> : vector<512x512xf32>
    %dot_general3A_5 = tpu.matmul %get3A_1, %get3A_4, %dot_general3A {dimension_numbers = #tpu.dot_dimension_numbers<[1], [0], [0], [1], [0, 0, 1, 1], [], []>, transpose_lhs_hint = false} : vector<512x256xf32>, vector<256x512xf32>, vector<512x512xf32> -> vector<512x512xf32>
    %get3A_6 = arith.constant 0 : index
    %get3A_7 = arith.constant 0 : index
    %get3A_8 = vector.load %arg3[%get3A_6, %get3A_7] : memref<1x512xf32, #tpu.memory_space<vmem>>, vector<1x512xf32>
    %add3A = vector.broadcast %get3A_8 : vector<1x512xf32> to vector<512x512xf32>
    %add3A_9 = arith.addf %dot_general3A_5, %add3A : vector<512x512xf32>
    %get3A_10 = arith.constant 0 : index
    %get3A_11 = arith.constant 0 : index
    %get3A_12 = vector.load %arg4[%get3A_10, %get3A_11] : memref<1x512xf32, #tpu.memory_space<vmem>>, vector<1x512xf32>
    %mul3A = vector.broadcast %get3A_12 : vector<1x512xf32> to vector<512x512xf32>
    %mul3A_13 = arith.mulf %add3A_9, %mul3A : vector<512x512xf32>
    %get3A_14 = arith.constant 0 : index
    %get3A_15 = arith.constant 0 : index
    %get3A_16 = vector.load %arg5[%get3A_14, %get3A_15] : memref<1x512xf32, #tpu.memory_space<vmem>>, vector<1x512xf32>
    %add3A_17 = vector.broadcast %get3A_16 : vector<1x512xf32> to vector<512x512xf32>
    %add3A_18 = arith.addf %mul3A_13, %add3A_17 : vector<512x512xf32>
    %get3A_19 = arith.constant 0 : index
    %get3A_20 = arith.constant 0 : index
    %get3A_21 = vector.load %arg6[%get3A_19, %get3A_20] : memref<512x512xf32, #tpu.memory_space<vmem>>, vector<512x512xf32>
    %dot_general3A_22 = arith.constant dense<0.000000e+00> : vector<512x512xf32>
    %dot_general3A_23 = tpu.matmul %add3A_18, %get3A_21, %dot_general3A_22 {dimension_numbers = #tpu.dot_dimension_numbers<[1], [0], [0], [1], [0, 0, 1, 1], [], []>, transpose_lhs_hint = false} : vector<512x512xf32>, vector<512x512xf32>, vector<512x512xf32> -> vector<512x512xf32>
    %get3A_24 = arith.constant 0 : index
    %get3A_25 = arith.constant 0 : index
    %get3A_26 = vector.load %arg7[%get3A_24, %get3A_25] : memref<1x512xf32, #tpu.memory_space<vmem>>, vector<1x512xf32>
    %add3A_27 = vector.broadcast %get3A_26 : vector<1x512xf32> to vector<512x512xf32>
    %add3A_28 = arith.addf %dot_general3A_23, %add3A_27 : vector<512x512xf32>
    %max3A = arith.constant 0.000000e+00 : f32
    %max3A_29 = vector.broadcast %max3A : f32 to vector<512x512xf32>
    %max3A_30 = arith.maximumf %add3A_28, %max3A_29 : vector<512x512xf32>
    %get3A_31 = arith.constant 0 : index
    %get3A_32 = arith.constant 0 : index
    %get3A_33 = vector.load %arg8[%get3A_31, %get3A_32] : memref<512x512xf32, #tpu.memory_space<vmem>>, vector<512x512xf32>
    %dot_general3A_34 = arith.constant dense<0.000000e+00> : vector<512x512xf32>
    %dot_general3A_35 = tpu.matmul %max3A_30, %get3A_33, %dot_general3A_34 {dimension_numbers = #tpu.dot_dimension_numbers<[1], [0], [0], [1], [0, 0, 1, 1], [], []>, transpose_lhs_hint = false} : vector<512x512xf32>, vector<512x512xf32>, vector<512x512xf32> -> vector<512x512xf32>
    %get3A_36 = arith.constant 0 : index
    %get3A_37 = arith.constant 0 : index
    %get3A_38 = vector.load %arg9[%get3A_36, %get3A_37] : memref<1x512xf32, #tpu.memory_space<vmem>>, vector<1x512xf32>
    %add3A_39 = vector.broadcast %get3A_38 : vector<1x512xf32> to vector<512x512xf32>
    %add3A_40 = arith.addf %dot_general3A_35, %add3A_39 : vector<512x512xf32>
    %add3A_41 = arith.addf %add3A_9, %add3A_40 : vector<512x512xf32>
    %get3A_42 = arith.constant 0 : index
    %get3A_43 = arith.constant 0 : index
    %get3A_44 = vector.load %arg10[%get3A_42, %get3A_43] : memref<1x512xf32, #tpu.memory_space<vmem>>, vector<1x512xf32>
    %mul3A_45 = vector.broadcast %get3A_44 : vector<1x512xf32> to vector<512x512xf32>
    %mul3A_46 = arith.mulf %add3A_41, %mul3A_45 : vector<512x512xf32>
    %get3A_47 = arith.constant 0 : index
    %get3A_48 = arith.constant 0 : index
    %get3A_49 = vector.load %arg11[%get3A_47, %get3A_48] : memref<1x512xf32, #tpu.memory_space<vmem>>, vector<1x512xf32>
    %add3A_50 = vector.broadcast %get3A_49 : vector<1x512xf32> to vector<512x512xf32>
    %add3A_51 = arith.addf %mul3A_46, %add3A_50 : vector<512x512xf32>
    %swap3A = arith.index_cast %arg0 : i32 to index
    %swap3A_52 = arith.constant 0 : index
    %swap3A_53 = arith.constant 0 : index
    %swap3A_54 = vector.load %arg15[%swap3A, %swap3A_52, %swap3A_53] : memref<21x512x512xf32, #tpu.memory_space<vmem>>, vector<1x512x512xf32>
    %swap3A_55 = vector.shape_cast %swap3A_54 : vector<1x512x512xf32> to vector<512x512xf32>
    %swap3A_56 = vector.shape_cast %add3A_51 : vector<512x512xf32> to vector<1x512x512xf32>
    tpu.vector_store %arg15[%swap3A, %swap3A_52, %swap3A_53], %swap3A_56 {strides = array<i32>} : memref<21x512x512xf32, #tpu.memory_space<vmem>>, vector<1x512x512xf32>,
    %get3A_57 = arith.constant 0 : index
    %get3A_58 = arith.constant 0 : index
    %get3A_59 = arith.constant 0 : index
    %get3A_60 = vector.load %arg15[%get3A_57, %get3A_58, %get3A_59] : memref<21x512x512xf32, #tpu.memory_space<vmem>>, vector<1x512x512xf32>
    %get3A_61 = vector.shape_cast %get3A_60 : vector<1x512x512xf32> to vector<512x512xf32>
    %mul3A_62 = arith.mulf %get3A_61, %get3A_61 : vector<512x512xf32>
    %reduce_sum3A = arith.constant dense<0.000000e+00> : vector<512xf32>
    %reduce_sum3A_63 = vector.multi_reduction <add>, %mul3A_62, %reduce_sum3A [1] : vector<512x512xf32> to vector<512xf32>
    %broadcast_in_dim3A = vector.shape_cast %reduce_sum3A_63 : vector<512xf32> to vector<512x1xf32>
    %mul3A_64 = arith.mulf %add3A_51, %add3A_51 : vector<512x512xf32>
    %reduce_sum3A_65 = arith.constant dense<0.000000e+00> : vector<512xf32>
    %reduce_sum3A_66 = vector.multi_reduction <add>, %mul3A_64, %reduce_sum3A_65 [1] : vector<512x512xf32> to vector<512xf32>
    %broadcast_in_dim3A_67 = vector.shape_cast %reduce_sum3A_66 : vector<512xf32> to vector<1x512xf32>
    %dot_general3A_68 = arith.constant dense<0.000000e+00> : vector<512x512xf32>
    %dot_general3A_69 = tpu.matmul %get3A_61, %add3A_51, %dot_general3A_68 {dimension_numbers = #tpu.dot_dimension_numbers<[1], [1], [0], [0], [0, 0, 1, 0], [], []>, transpose_lhs_hint = false} : vector<512x512xf32>, vector<512x512xf32>, vector<512x512xf32> -> vector<512x512xf32>
    %add3A_70 = vector.broadcast %broadcast_in_dim3A : vector<512x1xf32> to vector<512x512xf32>
    %add3A_71 = vector.broadcast %broadcast_in_dim3A_67 : vector<1x512xf32> to vector<512x512xf32>
    %add3A_72 = arith.addf %add3A_70, %add3A_71 : vector<512x512xf32>
    %mul3A_73 = arith.constant 2.000000e+00 : f32
    %mul3A_74 = vector.broadcast %mul3A_73 : f32 to vector<512x512xf32>
    %mul3A_75 = arith.mulf %mul3A_74, %dot_general3A_69 : vector<512x512xf32>
    %sub3A = arith.subf %add3A_72, %mul3A_75 : vector<512x512xf32>
    %max3A_76 = arith.constant 9.99999996E-13 : f32
    %max3A_77 = vector.broadcast %max3A_76 : f32 to vector<512x512xf32>
    %max3A_78 = arith.maximumf %sub3A, %max3A_77 : vector<512x512xf32>
    %sqrt3A = math.sqrt %max3A_78 : vector<512x512xf32>
    %mul3A_79 = arith.constant 512 : i32
    %mul3A_80 = arith.muli %arg0, %mul3A_79 : i32
    %iota3A = tpu.iota {dimensions = array<i32: 1>} : vector<512x512xi32>
    %add3A_81 = vector.broadcast %mul3A_80 : i32 to vector<512x512xi32>
    %add3A_82 = arith.addi %add3A_81, %iota3A : vector<512x512xi32>
    %iota3A_83 = tpu.iota {dimensions = array<i32: 0>} : vector<512x512xi32>
    %ge3A = arith.constant 10512 : i32
    %ge3A_84 = vector.broadcast %ge3A : i32 to vector<512x512xi32>
    %ge3A_85 = arith.cmpi sge, %add3A_82, %ge3A_84 : vector<512x512xi32>
    %eq3A = arith.cmpi eq, %add3A_82, %iota3A_83 : vector<512x512xi32>
    %or3A = arith.ori %ge3A_85, %eq3A : vector<512x512xi1>
    %jit3A = arith.constant 0x7F800000 : f32
    %broadcast_in_dim3A_86 = vector.broadcast %jit3A : f32 to vector<512x512xf32>
    %select_n3A = arith.select %or3A, %broadcast_in_dim3A_86, %sqrt3A : vector<512x512xi1>, vector<512x512xf32>
    %swap3A_87 = arith.constant 0 : index
    %swap3A_88 = arith.constant 0 : index
    %swap3A_89 = vector.load %arg12[%swap3A_87, %swap3A_88] : memref<512x512xf32, #tpu.memory_space<vmem>>, vector<512x512xf32>
    tpu.vector_store %arg12[%swap3A_87, %swap3A_88], %select_n3A {strides = array<i32>} : memref<512x512xf32, #tpu.memory_space<vmem>>, vector<512x512xf32>,
    %get3A_90 = arith.constant 0 : index
    %get3A_91 = arith.constant 0 : index
    %get3A_92 = vector.load %arg16[%get3A_90, %get3A_91] : memref<512x512xf32, #tpu.memory_space<vmem>>, vector<512x512xf32>
    %eq3A_93 = arith.constant 0 : i32
    %eq3A_94 = arith.cmpi eq, %arg0, %eq3A_93 : i32
    %min3A = arith.minimumf %get3A_92, %select_n3A : vector<512x512xf32>
    %select_n3A_95 = arith.select %eq3A_94, %select_n3A, %min3A : vector<512x512xf32>
    %swap3A_96 = arith.constant 0 : index
    %swap3A_97 = arith.constant 0 : index
    %swap3A_98 = vector.load %arg16[%swap3A_96, %swap3A_97] : memref<512x512xf32, #tpu.memory_space<vmem>>, vector<512x512xf32>
    tpu.vector_store %arg16[%swap3A_96, %swap3A_97], %select_n3A_95 {strides = array<i32>} : memref<512x512xf32, #tpu.memory_space<vmem>>, vector<512x512xf32>,
    %eq3A_99 = arith.constant 20 : i32
    %eq3A_100 = arith.cmpi eq, %arg0, %eq3A_99 : i32
    %convert_element_type3A = arith.extui %eq3A_100 : i1 to i32
    %cond3A = arith.constant 0 : i32
    %cond3A_101 = arith.cmpi ne, %convert_element_type3A, %cond3A : i32
    scf.if %cond3A_101 {
      %iota3A_102 = tpu.iota {dimensions = array<i32: 1>} : vector<512x512xi32>
      %iota3A_103 = tpu.iota {dimensions = array<i32: 1>} : vector<512x32xi32>
      %broadcast_in_dim3A_104 = arith.constant 0 : i32
      %broadcast_in_dim3A_105 = vector.broadcast %broadcast_in_dim3A_104 : i32 to vector<512x32xi32>
      %broadcast_in_dim3A_106 = arith.constant 0.000000e+00 : f32
      %broadcast_in_dim3A_107 = vector.broadcast %broadcast_in_dim3A_106 : f32 to vector<512x1xf32>
      %get3A_108 = arith.constant 0 : index
      %get3A_109 = arith.constant 0 : index
      %get3A_110 = vector.load %arg16[%get3A_108, %get3A_109] : memref<512x512xf32, #tpu.memory_space<vmem>>, vector<512x512xf32>
      %scan3A = arith.constant 1073741824 : i32
      %scan3A_111 = arith.constant 0 : i32
      %scan3A_112 = arith.constant 32 : i32
      %scan3A_113 = arith.addi %scan3A_111, %scan3A_112 : i32
      %scan3A_114 = arith.constant 1 : i32
      %scan3A_115:3 = scf.for %scan3A_123 = %scan3A_111 to %scan3A_113 step %scan3A_114 iter_args(%scan3A_124 = %get3A_110, %scan3A_125 = %broadcast_in_dim3A_105, %scan3A_126 = %broadcast_in_dim3A_107) -> (vector<512x512xf32>, vector<512x32xi32>, vector<512x1xf32>)  : i32 {
        %reduce_min3A = arith.constant dense<0x7F800000> : vector<512xf32>
        %reduce_min3A_127 = vector.multi_reduction <minimumf>, %scan3A_124, %reduce_min3A [1] : vector<512x512xf32> to vector<512xf32>
        %broadcast_in_dim3A_128 = vector.shape_cast %reduce_min3A_127 : vector<512xf32> to vector<512x1xf32>
        %eq3A_129 = vector.broadcast %broadcast_in_dim3A_128 : vector<512x1xf32> to vector<512x512xf32>
        %eq3A_130 = arith.cmpf oeq, %scan3A_124, %eq3A_129 : vector<512x512xf32>
        %broadcast_in_dim3A_131 = vector.broadcast %scan3A : i32 to vector<512x512xi32>
        %select_n3A_132 = arith.select %eq3A_130, %iota3A_102, %broadcast_in_dim3A_131 : vector<512x512xi1>, vector<512x512xi32>
        %reduce_min3A_133 = arith.constant dense<2147483647> : vector<512xi32>
        %reduce_min3A_134 = vector.multi_reduction <minsi>, %select_n3A_132, %reduce_min3A_133 [1] : vector<512x512xi32> to vector<512xi32>
        %broadcast_in_dim3A_135 = vector.shape_cast %reduce_min3A_134 : vector<512xi32> to vector<512x1xi32>
        %eq3A_136 = vector.broadcast %broadcast_in_dim3A_135 : vector<512x1xi32> to vector<512x512xi32>
        %eq3A_137 = arith.cmpi eq, %iota3A_102, %eq3A_136 : vector<512x512xi32>
        %jit3A_138 = arith.constant 0x7F800000 : f32
        %broadcast_in_dim3A_139 = vector.broadcast %jit3A_138 : f32 to vector<512x512xf32>
        %select_n3A_140 = arith.select %eq3A_137, %broadcast_in_dim3A_139, %scan3A_124 : vector<512x512xi1>, vector<512x512xf32>
        %eq3A_141 = vector.broadcast %scan3A_123 : i32 to vector<512x32xi32>
        %eq3A_142 = arith.cmpi eq, %iota3A_103, %eq3A_141 : vector<512x32xi32>
        %broadcast_in_dim3A_143 = vector.shape_cast %broadcast_in_dim3A_135 : vector<512x1xi32> to vector<512x1xi32>
        %broadcast_in_dim3A_144 = vector.broadcast %broadcast_in_dim3A_143 : vector<512x1xi32> to vector<512x32xi32>
        %select_n3A_145 = arith.select %eq3A_142, %broadcast_in_dim3A_144, %scan3A_125 : vector<512x32xi1>, vector<512x32xi32>
        scf.yield %select_n3A_140, %select_n3A_145, %broadcast_in_dim3A_128 : vector<512x512xf32>, vector<512x32xi32>, vector<512x1xf32>
      }
      %scan3A_116 = arith.constant 32 : i32
      %swap3A_117 = arith.constant 0 : index
      %swap3A_118 = arith.constant 0 : index
      %swap3A_119 = vector.load %arg13[%swap3A_117, %swap3A_118] : memref<512x32xi32, #tpu.memory_space<vmem>>, vector<512x32xi32>
      tpu.vector_store %arg13[%swap3A_117, %swap3A_118], %scan3A_115#1 {strides = array<i32>} : memref<512x32xi32, #tpu.memory_space<vmem>>, vector<512x32xi32>,
      %swap3A_120 = arith.constant 0 : index
      %swap3A_121 = arith.constant 0 : index
      %swap3A_122 = vector.load %arg14[%swap3A_120, %swap3A_121] : memref<512x1xf32, #tpu.memory_space<vmem>>, vector<512x1xf32>
      tpu.vector_store %arg14[%swap3A_120, %swap3A_121], %scan3A_115#2 {strides = array<i32>} : memref<512x1xf32, #tpu.memory_space<vmem>>, vector<512x1xf32>,
    } else {
    }
    return
  }
  func.func @transform_0(%arg0: i32) -> (i32, i32) {
    %c0_i32 = arith.constant 0 : i32
    %c0_i32_0 = arith.constant 0 : i32
    return %arg0, %c0_i32 : i32, i32
  }
  func.func @transform_1(%arg0: i32) -> (i32, i32) {
    %c0_i32 = arith.constant 0 : i32
    %c0_i32_0 = arith.constant 0 : i32
    %c0_i32_1 = arith.constant 0 : i32
    return %c0_i32, %c0_i32_0 : i32, i32
  }
  func.func @transform_2(%arg0: i32) -> (i32, i32) {
    %c0_i32 = arith.constant 0 : i32
    %c0_i32_0 = arith.constant 0 : i32
    %c0_i32_1 = arith.constant 0 : i32
    return %c0_i32, %c0_i32_0 : i32, i32
  }
  func.func @transform_3(%arg0: i32) -> (i32, i32) {
    %c0_i32 = arith.constant 0 : i32
    %c0_i32_0 = arith.constant 0 : i32
    %c0_i32_1 = arith.constant 0 : i32
    return %c0_i32, %c0_i32_0 : i32, i32
  }
  func.func @transform_4(%arg0: i32) -> (i32, i32) {
    %c0_i32 = arith.constant 0 : i32
    %c0_i32_0 = arith.constant 0 : i32
    %c0_i32_1 = arith.constant 0 : i32
    return %c0_i32, %c0_i32_0 : i32, i32
  }
  func.func @transform_5(%arg0: i32) -> (i32, i32) {
    %c0_i32 = arith.constant 0 : i32
    %c0_i32_0 = arith.constant 0 : i32
    %c0_i32_1 = arith.constant 0 : i32
    return %c0_i32, %c0_i32_0 : i32, i32
  }
  func.func @transform_6(%arg0: i32) -> (i32, i32) {
    %c0_i32 = arith.constant 0 : i32
    %c0_i32_0 = arith.constant 0 : i32
    %c0_i32_1 = arith.constant 0 : i32
    return %c0_i32, %c0_i32_0 : i32, i32
  }
  func.func @transform_7(%arg0: i32) -> (i32, i32) {
    %c0_i32 = arith.constant 0 : i32
    %c0_i32_0 = arith.constant 0 : i32
    %c0_i32_1 = arith.constant 0 : i32
    return %c0_i32, %c0_i32_0 : i32, i32
  }
  func.func @transform_8(%arg0: i32) -> (i32, i32) {
    %c0_i32 = arith.constant 0 : i32
    %c0_i32_0 = arith.constant 0 : i32
    %c0_i32_1 = arith.constant 0 : i32
    return %c0_i32, %c0_i32_0 : i32, i32
  }
  func.func @transform_9(%arg0: i32) -> (i32, i32) {
    %c0_i32 = arith.constant 0 : i32
    %c0_i32_0 = arith.constant 0 : i32
    %c0_i32_1 = arith.constant 0 : i32
    return %c0_i32, %c0_i32_0 : i32, i32
  }
  func.func @transform_10(%arg0: i32) -> (i32, i32) {
    %c0_i32 = arith.constant 0 : i32
    %c0_i32_0 = arith.constant 0 : i32
    %c0_i32_1 = arith.constant 0 : i32
    return %c0_i32, %c0_i32_0 : i32, i32
  }
  func.func @transform_11(%arg0: i32) -> (i32, i32) {
    %c0_i32 = arith.constant 0 : i32
    %c0_i32_0 = arith.constant 0 : i32
    return %c0_i32, %arg0 : i32, i32
  }
  func.func @transform_12(%arg0: i32) -> (i32, i32) {
    %c0_i32 = arith.constant 0 : i32
    %c0_i32_0 = arith.constant 0 : i32
    %c0_i32_1 = arith.constant 0 : i32
    return %c0_i32, %c0_i32_0 : i32, i32
  }
  func.func @transform_13(%arg0: i32) -> (i32, i32) {
    %c0_i32 = arith.constant 0 : i32
    %c0_i32_0 = arith.constant 0 : i32
    %c0_i32_1 = arith.constant 0 : i32
    return %c0_i32, %c0_i32_0 : i32, i32
  }
}

</mosaic_0001>

<sc_bundles>
// kernel: kernel.4.cloned.1.call-start
scs
__scs_entry_jumppad:
0x0: {  	(pc) =	sbr.rel $0x88, $3  }
0x1: {  	(tag) =	ssettag $0x0;
	lr =	simm.s32 $0x1  }
0x2: {  	[smem:$0x3F93] =	sst lr;
	_ =	strace $0xD0000000  }
0x3: {  	_ = 	snop  }
0x4: {  	_ = 	snop  }
0x5: {  	_ = 	snop  }
0x6: {  	_ = 	snop  }
0x7: {  	_ = 	snop  }
__scs_overlays_trampoline_lowered:
0x8: {  	[smem:$0x3FA2] =	sst s0  }
0x9: {  	[smem:$0x3FA3] =	sst s1  }
0xa: {  	[smem:$0x3FA4] =	sst s2  }
0xb: {  	[smem:$0x3FA5] =	sst s3  }
0xc: {  	[smem:$0x3FA6] =	sst s4  }
0xd: {  	[smem:$0x3FA7] =	sst s5  }
0xe: {  	[smem:$0x3FA8] =	sst s6  }
0xf: {  	[smem:$0x3FA9] =	sst s7  }
0x10: {  	[smem:$0x3FAA] =	sst s8  }
0x11: {  	[smem:$0x3FAB] =	sst s9;
	s0 =	simm.s32 @!p0 $0x0  }
0x12: {  	s1 =	sld [smem:$0x3F91];
	s0 =	simm.s32 @p0 $0x1  }
0x13: {  	[smem:$0x3FAC] =	sst s0;
	s0 =	simm.s32 @!p1 $0x0  }
0x14: {  	s2 =	sld [smem:$0x3F90];
	s0 =	simm.s32 @p1 $0x1  }
0x15: {  	[smem:$0x3FAD] =	sst s0;
	s0 =	simm.s32 @!p2 $0x0  }
0x16: {  	s3 =	sld [smem:$0x3FDB];
	s0 =	simm.s32 @p2 $0x1  }
0x17: {  	s4 =	simm.s32 $0x1BF5;
	[smem:$0x3FAF] =	sst s0  }
0x18: {  	s0 =	sld [smem:$0x3F92];
	_ =	swait.ge [sflag:s4], $0x0  }
0x19: {  	s7 =	sld [smem:$0x3F93]  }
0x1a: {  	s8 =	sadd.s32 $0xFFFFE003, lr  }
0x1b: {  	s9 =	sadd.s32 $0xFFFFFEF7, lr;
	s5 =	simm.s32 $0xFFFFFFFF;
	p2 =	slt.u32 s8, $0xFFFFF086  }
0x1c: {  	p1 =	slt.u32 s9, $0xF7A;
	s5 =	simm.s32 @!p2 $0x0  }
0x1d: {  	s5 =	simm.s32 @p1 $0x1;
	p0 =	seq.s32 s7, s2  }
0x1e: {  	s7 =	smul.u32 @!p0 $0xF7A, s2;
	p2 =	seq.s32 @!p0 s5, $0x0  }
0x1f: {  	s9 =	smul.u32 $0xF7A, s1;
	s8 =	simm.s32 @!p0 $0x1BF5;
	p2 =	por !p2, p0  }
0x20: {  	[sflag:s8] =	ssyncset.s32 @!p0 $0xFFFFF086;
	s6 =	sadd.s32 @!p0 s3, s7;
	s7 =	simm.s32 @!p0 $0x108  }
0x21: {  	s3 =	sadd.s32 s3, s9;
	s6 =	sadd.s32 @!p0 $0x88, s6;
	s7 =	simm.s32 @p2 $0x1082  }
0x22: {  	[simem:s7], [sflag:s8] =	dma.local @!p0 [hbm:s6], $0xF7A  }
0x23: {  	s9 =	sor.u32 $0xD0000000, s2;
	s6 =	simm.s32 $0x108;
	_ =	swait.ge @!p0 [sflag:s8], $0x0  }
0x24: {  	s3 =	sadd.s32 $0x88, s3;
	s6 =	simm.s32 @!p1 $0x1082;
	[sflag:s4] =	ssyncset.s32 $0xFFFFF086  }
0x25: {  	[simem:s6], [sflag:s4] =	dma.local [hbm:s3], $0xF7A  }
0x26: {  	[smem:$0x3F93] =	sst s1;
	(tag) =	ssettag s2;
	_ =	strace s9  }
0x27: {  	s1 =	sld [smem:$0x3FA3]  }
0x28: {  	s2 =	sld [smem:$0x3FA4]  }
0x29: {  	s4 =	sld [smem:$0x3FA6]  }
0x2a: {  	p0 =	seq.s32 s5, $0x0;
	s5 =	sld [smem:$0x3FA7]  }
0x2b: {  	s6 =	sld [smem:$0x3FA8]  }
0x2c: {  	s7 =	sld [smem:$0x3FA9]  }
0x2d: {  	s3 =	simm.s32 $0x108;
	s8 =	sld [smem:$0x3FAA]  }
0x2e: {  	s3 =	simm.s32 @!p0 $0x1082;
	s9 =	sld [smem:$0x3FAB]  }
0x2f: {  	lr =	sadd.s32 s0, s3;
	s0 =	sld [smem:$0x3FA2]  }
0x30: {  	s3 =	sld [smem:$0x3FA5]  }
0x31: {  	[smem:$0x3FAE] =	sst s10  }
0x32: {  	s10 =	sld [smem:$0x3FAC];
	_ =	sdelay $0x3  }
0x33: {  	p0 =	seq.s32 s10, $0x1;
	s10 =	sld [smem:$0x3FAE];
	_ =	sdelay $0x3  }
0x34: {  	[smem:$0x3FAE] =	sst s10  }
0x35: {  	s10 =	sld [smem:$0x3FAD];
	_ =	sdelay $0x3  }
0x36: {  	p1 =	seq.s32 s10, $0x1;
	s10 =	sld [smem:$0x3FAE];
	_ =	sdelay $0x3  }
0x37: {  	[smem:$0x3FAE] =	sst s10  }
0x38: {  	s10 =	sld [smem:$0x3FAF]  }
0x39: {  	_ = 	snop;
	(pc) =	sbr.ind lr, $3  }
0x3a: {  	_ = 	snop  }
0x3b: {  	_ = 	snop  }
0x3c: {  	p2 =	seq.s32 s10, $0x1;
	s10 =	sld [smem:$0x3FAE]  }
0x3d: {  	_ =	shalt  }
0x3e: {  	_ =	shalt  }
0x3f: {  	_ =	shalt  }
0x40: {  	_ =	shalt  }
0x41: {  	_ =	shalt  }
0x42: {  	_ =	shalt  }
0x43: {  	_ =	shalt  }
0x44: {  	_ =	shalt  }
0x45: {  	_ =	shalt  }
0x46: {  	_ =	shalt  }
0x47: {  	_ =	shalt  }
0x48: {  	_ =	shalt  }
0x49: {  	_ =	shalt  }
0x4a: {  	_ =	shalt  }
0x4b: {  	_ =	shalt  }
0x4c: {  	_ =	shalt  }
0x4d: {  	_ =	shalt  }
0x4e: {  	_ =	shalt  }
0x4f: {  	_ =	shalt  }
0x50: {  	_ =	shalt  }
0x51: {  	_ =	shalt  }
0x52: {  	_ =	shalt  }
0x53: {  	_ =	shalt  }
0x54: {  	_ =	shalt  }
0x55: {  	_ =	shalt  }
0x56: {  	_ =	shalt  }
0x57: {  	_ =	shalt  }
0x58: {  	_ =	shalt  }
0x59: {  	_ =	shalt  }
0x5a: {  	_ =	shalt  }
0x5b: {  	_ =	shalt  }
0x5c: {  	_ =	shalt  }
0x5d: {  	_ =	shalt  }
0x5e: {  	_ =	shalt  }
0x5f: {  	_ =	shalt  }
0x60: {  	_ =	shalt  }
0x61: {  	_ =	shalt  }
0x62: {  	_ =	shalt  }
0x63: {  	_ =	shalt  }
0x64: {  	_ =	shalt  }
0x65: {  	_ =	shalt  }
0x66: {  	_ =	shalt  }
0x67: {  	_ =	shalt  }
0x68: {  	_ =	shalt  }
0x69: {  	_ =	shalt  }
0x6a: {  	_ =	shalt  }
0x6b: {  	_ =	shalt  }
0x6c: {  	_ =	shalt  }
0x6d: {  	_ =	shalt  }
0x6e: {  	_ =	shalt  }
0x6f: {  	_ =	shalt  }
0x70: {  	_ =	shalt  }
0x71: {  	_ =	shalt  }
0x72: {  	_ =	shalt  }
0x73: {  	_ =	shalt  }
0x74: {  	_ =	shalt  }
0x75: {  	_ =	shalt  }
0x76: {  	_ =	shalt  }
0x77: {  	_ =	shalt  }
0x78: {  	_ =	shalt  }
0x79: {  	_ =	shalt  }
0x7a: {  	_ =	shalt  }
0x7b: {  	_ =	shalt  }
0x7c: {  	_ =	shalt  }
0x7d: {  	_ =	shalt  }
0x7e: {  	_ =	shalt  }
0x7f: {  	_ =	shalt  }
0x80: {  	_ =	shalt  }
0x81: {  	_ =	shalt  }
0x82: {  	_ =	shalt  }
0x83: {  	_ =	shalt  }
0x84: {  	_ =	shalt  }
0x85: {  	_ =	shalt  }
0x86: {  	_ =	shalt  }
0x87: {  	_ =	shalt  }
.Lfunc_end0:
.L_simem_size_0:
called_computation_lowered:
.L_overlay_start_0:
0x88: {  	s2 =	sld [smem:$0x3FD9]  }
0x89: {  	s3 =	sld [smem:$0x3FFE];
	_ =	sdelay $0x1  }
0x8a: {  	s1 =	srdreg.scid  }
0x8b: {  	s0 =	sand.u32 $0x1, s1  }
0x8c: {  	s17 =	sshll.u32 s0, $0xA;
	s2 =	sadd.s32 s3, s2  }
0x8d: {  	s2 =	sadd.s32 s2, s17  }
0x8e: {  	[smem:$0x3FBA] =	sst s2  }
0x8f: {  	_ = 	snop  }
0x90: {  	s2 =	sld [smem:$0x3FD0];
	(tm) =	ssettm $0x1  }
0x91: {  	s18 =	sld [smem:$0x3FFB];
	_ =	sdelay $0x3  }
0x92: {  	_ =	strace s18  }
0x93: {  	s3 =	sld [smem:$0x3FFC];
	_ =	sdelay $0x3  }
0x94: {  	_ =	strace s3  }
0x95: {  	s3 =	sld [smem:$0x3FFD];
	_ =	sdelay $0x3  }
0x96: {  	_ =	strace s3  }
0x97: {  	_ =	strace $0x8FFFFFFF  }
0x98: {  	s19 =	sld [smem:$0x3FDB];
	_ =	sdelay $0x1  }
0x99: {  	s4 =	simm.s32 $_scs_section_size  }
0x9a: {  	s5 =	simm.s32 $_size__tile_overlayer_lowered;
	s6 =	simm.s32 $_tile_overlayer_lowered  }
0x9b: {  	s22 =	simm.s32 $0x1BFF;
	s21 =	sshll.u32 s6, $0x1;
	s3 =	sadd.s32 s4, s19  }
0x9c: {  	s7 =	simm.s32 $0x0;
	s20 =	sshll.u32 s5, $0x1;
	s5 =	sadd.s32 s21, s3  }
0x9d: {  	[timem:s7], [sflag:s22] =	dma.local [hbm:s5], s20  }
0x9e: {  	_ =	swait.ge [sflag:s22], s20  }
0x9f: {  	s4 =	ssub.s32 $0x0, s20;
	[sflag:s22] =	ssyncset.done $0x0  }
0xa0: {  	[sflag:s22] =	ssyncadd.s32 s4;
	_ =	sdelay $0x1  }
0xa1: {  	s23 =	simm.s32 $0x1B8B  }
0xa2: {  	_ =	swait.ge [sflag:s23], $0x1  }
0xa3: {  	[sflag:s23] =	ssyncset.done $0x0  }
0xa4: {  	s25 =	simm.s32 $0x1B8E;
	s24 =	sld [smem:$0x3FFE];
	[sflag:s23] =	ssyncadd.s32 $0xFFFFFFFF  }
0xa5: {  	s26 =	simm.s32 $execute0_lowered;
	[smem:$0x3FD2] =	sst s25  }
0xa6: {  	s5 =	sshll.u32 s26, $0x1;
	_ =	strace $0x80000046;
	[dreg:$0x1] =	wrdreg $0xFFFFFFFF  }
0xa7: {  	s28 =	simm.s32 $_size_execute0_lowered;
	s3 =	sadd.s32 s3, s5;
	[dreg:$0x0] =	wrdreg $0x0  }
0xa8: {  	s5 =	sshll.u32 s28, $0x1;
	[dreg:$0x2] =	wrdreg s3  }
0xa9: {  	[dreg:$0x3] =	wrdreg s5  }
0xaa: {  	[dreg:$0x4] =	wrdreg $0xC0  }
0xab: {  	_ =	task [dreg:s7], $0x5FFFF  }
0xac: {  	[dreg:$0x1] =	wrdreg $0xFFFFFFFF  }
0xad: {  	[dreg:$0x0] =	wrdreg $0x60  }
0xae: {  	[dreg:$0x2] =	wrdreg s24  }
0xaf: {  	[dreg:$0x3] =	wrdreg s2  }
0xb0: {  	[dreg:$0x4] =	wrdreg $0x9  }
0xb1: {  	_ =	task.clear_ibuf [dreg:s7], $0x5FFFF;
	_ =	strace $0x90000046  }
0xb2: {  	s29 =	simm.s32 $0x9;
	_ =	strace $0x80000048  }
0xb3: {  	_ =	swait.ge [sflag:s29], $0x1  }
0xb4: {  	[sflag:s29] =	ssyncadd.s32 $0xFFFFFFFF  }
0xb5: {  	_ =	strace $0x90000048  }
0xb6: {  	_ =	sfence  }
0xb7: {  	s30 =	sld [smem:$0x0];
	_ =	sdelay $0x2  }
0xb8: {  	s31 =	sshll.u32 s1, $0xD;
	s1 =	sshrl.u32 s1, $0x2  }
0xb9: {  	s3 =	sand.u32 $0x4000, s31;
	s1 =	sadd.s32 s1, s30  }
0xba: {  	s0 =	sor.u32 s3, s0;
	s1 =	sshll.u32 s1, $0x11  }
0xbb: {  	s0 =	sor.u32 s1, s0  }
0xbc: {  	s0 =	sadd.s32 $0x8F2B, s0  }
0xbd: {  	[sflag:s0] =	ssyncadd.remote.s32 $0x1  }
0xbe: {  	_ =	sfence.sel $0xFFFF  }
0xbf: {  	[dreg:$0x0] =	wrdreg $0xFFFFFFFF;
	(pc) =	sbr.abs _section_cstart, $3  }
0xc0: {  	[dreg:$0x1] =	wrdreg $0xFFFFFFFF  }
0xc1: {  	_ =	task.clear_ibuf [dreg:s7], $0x2FFFF;
	_ =	strace $0x9FFFFFFF  }
0xc2: {  	(tm) =	ssettm $0x7FFFFFFF  }
0xc3: {  	_ =	shalt  }
tec
execute0_lowered:
.L_overlay_start_1:
0x0: {  	(tag) =	ssettag $0x1  }
0x1: {  	s7 =	rddreg [dreg:$0x0]  }
0x2: {  	s10 =	rddreg [dreg:$0x1];
	s2 =	srdreg.scid  }
0x3: {  	s0 =	rddreg [dreg:$0x2];
	s1 =	stileid.u32  }
0x4: {  	s14 =	simm.s32 $0x3;
	s15 =	simm.s32 $0x1;
	s16 =	simm.s32 $0x2  }
0x5: {  	s17 =	simm.s32 $0x2A00;
	s18 =	simm.s32 $0x7F80;
	s19 =	simm.s32 $0x0  }
0x6: {  	s6 =	sand.u32 $0x1, s2;
	s2 =	simm.s32 $0x0;
	s3 =	sshll.u32 s1, $0x5  }
0x7: {  	s5 =	sadd.s32 $0xAB400, s7;
	s4 =	sshll.u32 s6, $0x4;
	[smem:$0x7FF] =	sst s2  }
0x8: {  	s8 =	ssub.s32 $0x2, s6;
	s6 =	sadd.s32 $0xA9200, s7;
	s3 =	sor.u32 s4, s3  }
0x9: {  	_ =	strace $0x80000047;
	s4 =	sadd.s32 $0x1200, s7;
	s30 =	sshrl.u32 s8, $0x1  }
0xa: {  	s11 =	sshrl.u32 s3, $0x3;
	s13 =	ssub.s32 s8, s30;
	s31 =	sshll.u32 s3, $0x4  }
0xb: {  	s9 =	smul.u32 $0x2A00, s11;
	s12 =	sadd.s32 s11, s7;
	s8 =	sadd.s32 s6, s31  }
0xc: {  	v0 =	vlaneseq.u32;
	s10 =	sadd.s32 s10, s11;
	s11 =	smax.u32 s13, $0x1;
	s13 =	simm.s32 $0x7F00  }
0xd: {  	v1 =	vor.u32 $0x10, v0;
	s7 =	sadd.s32 s4, s9;
	s9 =	sadd.s32 $0xAB200, s12;
	s12 =	simm.s32 $0x7E00  }
.LBB2_1:
0xe: {  	s20 =	simm.s32 $0x80  }
0xf: {  	s23 =	sadd.s32 $0x0, s7;
	s21 =	simm.s32 $0x2B00;
	s22 =	simm.s32 $0x2A00  }
.LBB2_2:
0x10: {  	[tilespmem:s22], [sflag:$0x1] =	stream.linear.gather [hbm4b:s23+s2], $0x80, $0x38;
	[tilespmem:$0x8000] =	vst v63  }
0x11: {  	s23 =	smov.u32 s20;
	s22 =	smov.u32 s21;
	p0 =	sne.s32 s20, $0x2980  }
.Ltmp0:
0x12: {  	s20 =	sadd.s32 $0x80, s20;
	(pc) =	sbr.rel @p0 .LBB2_2-.Ltmp0, $2  }
0x13: {  	_ =	sdelay $0x2  }
0x14: {  	s21 =	sadd.s32 $0x100, s21;
	s23 =	sadd.s32 s23, s7  }
0x15: {  	[tilespmem:s22], [sflag:$0x1] =	stream.linear.gather [hbm4b:s23+s2], $0x80, $0x38;
	[tilespmem:$0x8000] =	vst v63  }
0x16: {  	s20 =	simm.s32 $0x0  }
0x17: {  	[tilespmem:s12], [sflag:$0x2] =	stream.linear.gather [hbm4b:s8+s20], $0x80, $0x38;
	[tilespmem:$0x8000] =	vst v63  }
0x18: {  	_ = 	snop  }
0x19: {  	[tilespmem:s13], [sflag:$0x3] =	stream.linear.gather [hbm4b:s9+s20], $0x10, $0x38;
	[tilespmem:$0x8000] =	vst v63  }
0x1a: {  	_ =	swait.ge [sflag:s14], $0x10  }
0x1b: {  	[sflag:s14] =	ssyncset.done $0x0  }
0x1c: {  	[sflag:s14] =	ssyncadd.s32 $0xFFFFFFF0  }
0x1d: {  	[tilespmem:s20], [sflag:$0x3] =	stream.linear.gather [hbm4b:s5+s20], $0x2A00, $0x38;
	[tilespmem:$0x8000] =	vst v63  }
0x1e: {  	_ =	swait.ge [sflag:s14], $0x2A00  }
0x1f: {  	[sflag:s14] =	ssyncset.done $0x0  }
0x20: {  	[sflag:s14] =	ssyncadd.s32 $0xFFFFD600  }
.LBB2_4:
0x21: {  	_ =	swait.ge [sflag:s15], $0x2A00;
	p0 =	seq.s32 s20, $0xF  }
.Ltmp1:
0x22: {  	[sflag:s15] =	ssyncset.done $0x0;
	(pc) =	sbr.rel @p0 .LBB2_8-.Ltmp1, $4  }
0x23: {  	[sflag:s15] =	ssyncadd.s32 $0xFFFFD600  }
0x24: {  	_ =	swait.ge [sflag:s16], $0x80  }
0x25: {  	[sflag:s16] =	ssyncset.done $0x0  }
0x26: {  	s21 =	sand.u32 $0x1, s20;
	[sflag:s16] =	ssyncadd.s32 $0xFFFFFF80  }
0x27: {  	s22 =	sor.u32 s3, s20  }
0x28: {  	s23 =	sadd.s32 $0x1, s22  }
0x29: {  	s22 =	sshrl.u32 s23, $0x3  }
0x2a: {  	s23 =	sshll.u32 s23, $0x7;
	s24 =	smul.u32 $0x15000, s22  }
0x2b: {  	s25 =	sshll.u32 s21, $0x9;
	s23 =	sand.u32 $0x380, s23  }
0x2c: {  	s25 =	sxor.u32 $0x200, s25;
	s24 =	sor.u32 s23, s24  }
0x2d: {  	s26 =	sshrl.u32 s24, $0x3;
	s24 =	sshrl.u32 s25, $0x2  }
0x2e: {  	s25 =	sadd.s32 s4, s26;
	s26 =	sor.u32 $0x2A00, s24  }
0x2f: {  	s28 =	simm.s32 $0x80;
	s30 =	sadd.s32 $0x0, s25;
	s29 =	sadd.s32 $0x100, s26  }
.LBB2_6:
0x30: {  	[tilespmem:s26], [sflag:$0x1] =	stream.linear.gather [hbm4b:s30+s2], $0x80, $0x38;
	[tilespmem:$0x8000] =	vst v63  }
0x31: {  	s30 =	smov.u32 s28;
	s26 =	smov.u32 s29;
	p0 =	sne.s32 s28, $0x2980  }
.Ltmp2:
0x32: {  	s28 =	sadd.s32 $0x80, s28;
	(pc) =	sbr.rel @p0 .LBB2_6-.Ltmp2, $2  }
0x33: {  	_ =	sdelay $0x2  }
0x34: {  	s29 =	sadd.s32 $0x100, s29;
	s30 =	sadd.s32 s30, s25  }
0x35: {  	[tilespmem:s26], [sflag:$0x1] =	stream.linear.gather [hbm4b:s30+s2], $0x80, $0x38;
	[tilespmem:$0x8000] =	vst v63  }
0x36: {  	s22 =	sshll.u32 s22, $0xA  }
0x37: {  	s22 =	sor.u32 s23, s22  }
0x38: {  	s22 =	sshrl.u32 s22, $0x3  }
0x39: {  	s31 =	sor.u32 $0x7E00, s24;
	s22 =	sadd.s32 s6, s22  }
0x3a: {  	[tilespmem:s31], [sflag:$0x2] =	stream.linear.gather [hbm4b:s22+s2], $0x80, $0x38;
	[tilespmem:$0x8000] =	vst v63  }
.LBB2_8:
0x3b: {  	v2 =	vmov s21  }
0x3c: {  	v2 =	vshll.u32 v2, $0x7  }
0x3d: {  	v3 =	vbroadcast v2, $0x0;
	_ =	sdelay $0x1  }
0x3e: {  	v2 =	vor.u32 v0, v3;
	_ =	sdelay $0x4  }
0x3f: {  	v5 =	vor.u32 v1, v3;
	v6 =	vld.idx.msk [tilespmem:v2+s12+$0x0], $0xffff;
	_ =	sdelay $0x3  }
0x40: {  	s28 =	simm.s32 $0x0  }
0x41: {  	v4 =	vld.idx.msk [tilespmem:v5+s12+$0x0], $0xffff;
	v8 =	vadd.s32 s28, v6  }
0x42: {  	v2 =	vshll.u32 v8, $0x1  }
0x43: {  	v7 =	vand.u32 $0x7F, v6;
	v9 =	vand.u32 $0xFFFFFF00, v2  }
0x44: {  	v2 =	vmov s20;
	v9 =	vor.u32 v9, v7  }
0x45: {  	v10 =	vmov s28;
	v9 =	vor.u32 v3, v9  }
0x46: {  	v10 =	vadd.s32 v10, v4  }
0x47: {  	s29 =	simm.s32 $0x200;
	v11 =	vshll.u32 v10, $0x1  }
0x48: {  	v12 =	vand.u32 $0x7F, v4;
	v13 =	vadd.s32 s29, v6;
	v11 =	vand.u32 $0xFFFFFF00, v11  }
0x49: {  	v11 =	vor.u32 v11, v12;
	v12 =	vshll.u32 v13, $0x1;
	v4 =	vld.idx.msk [tilespmem:v2+s13+$0x0], $0xffff  }
0x4a: {  	v11 =	vor.u32 v3, v11;
	v12 =	vand.u32 $0xFFFFFF00, v12;
	v9 =	vld.idx.msk [tilespmem:v9+s17+$0x0], $0xffff  }
0x4b: {  	v12 =	vor.u32 v12, v7  }
0x4c: {  	v12 =	vor.u32 v3, v12;
	_ =	sdelay $0x2  }
0x4d: {  	v11 =	vld.idx.msk [tilespmem:v11+s17+$0x0], $0xffff;
	vm0 =	vle.f32 v9, v4  }
0x4e: {  	v14 =	vmpcnt.ones.xlane vm0  }
0x4f: {  	v12 =	vld.idx.msk [tilespmem:v12+s17+$0x0], $0xffff  }
0x50: {  	(v2sf) =	vpush v14, $0x0;
	_ =	sdelay $0x1  }
0x51: {  	vm13 =	vle.f32 v11, v4  }
0x52: {  	v14 =	vmpcnt.ones.xlane vm13  }
0x53: {  	vm14 =	vle.f32 v12, v4  }
0x54: {  	(v2sf) =	vpush v14, $0x0;
	v14 =	vmpcnt.ones.xlane vm14;
	_ =	sdelay $0x1  }
0x55: {  	(v2sf) =	vpush v14, $0x0;
	_ =	sdelay $0x6  }
0x56: {  	v14 =	vld.idx.msk [tilespmem:v5+s12+$0x0], $0xffff  }
0x57: {  	s22 =	spop (v2sf)  }
0x58: {  	p5 =	slt.s32 s22, $0x1  }
0x59: {  	(xrf1) =	vsort.ascd.msk.f32 @!p5 $0xffff, v9, v8  }
0x5a: {  	v8 =	vmov s29  }
0x5b: {  	v9 =	vadd.s32 v8, v14  }
0x5c: {  	v8 =	vshll.u32 v9, $0x1  }
0x5d: {  	s30 =	spop (v2sf);
	v14 =	vand.u32 $0x7F, v14;
	v8 =	vand.u32 $0xFFFFFF00, v8  }
0x5e: {  	p0 =	slt.s32 s30, $0x1;
	s31 =	spop (v2sf);
	v8 =	vor.u32 v8, v14  }
0x5f: {  	(xrf1) =	vsort.ascd.msk.f32 @!p0 $0xffff, v11, v10;
	p3 =	slt.s32 s31, $0x1;
	v8 =	vor.u32 v3, v8  }
0x60: {  	(xrf1) =	vsort.ascd.msk.f32 @!p3 $0xffff, v12, v13;
	_ =	sdelay $0x3  }
0x61: {  	v10 =	vlaneseq.u32 @!p5;
	v12 =	vld.idx.msk [tilespmem:v8+s17+$0x0], $0xffff  }
0x62: {  	v15 =	vlaneseq.u32 @!p3;
	v8 =	vmul.u32 @!p5 $0xFFFFFFFF, v10  }
0x63: {  	v16 =	vimm.f32 $+Inf;
	v17 =	vimm.s32 $0x0;
	s21 =	simm.s32 $0x400;
	v21 =	vmul.u32 @!p3 $0xFFFFFFFF, v15  }
0x64: {  	v10 =	vlaneseq.u32 @!p0;
	v14 =	vadd.s32 @!p5 $0xF, v8;
	v8 =	vadd.s32 s21, v6;
	v11, v13, _ =	vpop @!p5 (xrf1)  }
0x65: {  	v11 =	vperm.xlane @!p5 v11, v14;
	v13 =	vperm.xlane @!p5 v13, v14;
	v14 =	vshll.u32 v8, $0x1  }
0x66: {  	p4 =	por p5, p5;
	v10 =	vmul.u32 @!p0 $0xFFFFFFFF, v10;
	vm15 =	vle.f32 v12, v4;
	v14 =	vand.u32 $0xFFFFFF00, v14  }
0x67: {  	v18 =	vmpcnt.ones.xlane vm15;
	v14 =	vor.u32 v14, v7;
	vm0 =	vle.f32 @!p4 v16, v11  }
0x68: {  	v10 =	vadd.s32 @!p0 $0xF, v10;
	v19 =	vor.u32 v3, v14;
	v11 =	vsel @!p4 vm0, v16, v11  }
0x69: {  	v13 =	vsel @!p4 vm0, v17, v13;
	(v2sf) =	vpush v18, $0x0;
	vm0 =	vle.f32 @!p4 v16, v11  }
0x6a: {  	v18 =	vadd.s32 @!p3 $0xF, v21;
	v14, v20, _ =	vpop @!p0 (xrf1);
	v22 =	vsel @!p4 vm0, v11, v16;
	v23 =	vsel @!p4 vm0, v13, v17  }
0x6b: {  	v11 =	vsel @!p4 vm0, v16, v11;
	v14 =	vperm.xlane @!p0 v14, v10;
	v15 =	vperm.xlane @!p0 v20, v10;
	v10, v20, _ =	vpop @!p3 (xrf1)  }
0x6c: {  	v21 =	vsel @!p4 vm0, v17, v13;
	(xrf1) =	vsort.ascd.msk.f32 @!p4 $0xffff, v22, v23;
	v10 =	vperm.xlane @!p3 v10, v18  }
0x6d: {  	s20 =	sadd.s32 $0x1, s20;
	s22 =	simm.s32 $0x600;
	p2 =	por p0, p0;
	(xrf1) =	vsort.ascd.msk.f32 @!p4 $0xffff, v11, v21;
	v11 =	vperm.xlane @!p3 v20, v18;
	v18 =	vimm.f32 $+Inf;
	v13 =	vld.idx.msk [tilespmem:v19+s17+$0x0], $0xffff;
	v19 =	vimm.s32 $0x0  }
.LBB2_9:
0x6e: {  	_ =	sdelay $0x8  }
0x6f: {  	vm0 =	vle.f32 v13, v4  }
0x70: {  	v20 =	vmpcnt.ones.xlane vm0  }
0x71: {  	s23 =	smov.u32 s22;
	s22 =	sadd.s32 $0x200, s22  }
0x72: {  	p6 =	por p0, p0;
	p0 =	sne.s32 s22, $0x2A00;
	(v2sf) =	vpush v20, $0x0  }
0x73: {  	s24 =	simm.s32 @!p0 $0x0;
	s29 =	spop (v2sf)  }
0x74: {  	s24 =	simm.s32 @p0 $0x1;
	p0 =	slt.s32 s29, $0x1  }
0x75: {  	p1 =	por p5, p5;
	v20 =	vld.idx.msk [tilespmem:v5+s12+$0x0], $0xffff;
	(xrf1) =	vsort.ascd.msk.f32 @!p0 $0xffff, v12, v9  }
0x76: {  	v24, v22, _ =	vpop @!p1 (xrf1)  }
0x77: {  	v16 =	vpsel p4, v16, v24  }
0x78: {  	v17 =	vpsel p4, v17, v22;
	vm0 =	vle.f32 @!p2 v16, v14;
	v9, v21, _ =	vpop @!p1 (xrf1)  }
0x79: {  	v12 =	vmov s21;
	v18 =	vpsel p4, v18, v9;
	v19 =	vpsel p4, v19, v21  }
0x7a: {  	v9 =	vadd.s32 v12, v20;
	v12 =	vsel @!p2 vm0, v16, v14;
	v14 =	vsel @!p2 vm0, v17, v15  }
0x7b: {  	v15 =	vand.u32 $0x7F, v20;
	v20 =	vshll.u32 v9, $0x1;
	vm0 =	vle.f32 @!p2 v18, v12  }
0x7c: {  	v20 =	vand.u32 $0xFFFFFF00, v20;
	v21 =	vsel @!p2 vm0, v12, v18;
	v22 =	vsel @!p2 vm0, v14, v19  }
0x7d: {  	v15 =	vor.u32 v20, v15;
	(xrf1) =	vsort.ascd.msk.f32 @!p2 $0xffff, v21, v22  }
0x7e: {  	v12 =	vsel @!p2 vm0, v18, v12;
	v14 =	vsel @!p2 vm0, v19, v14;
	v15 =	vor.u32 v3, v15  }
0x7f: {  	(xrf1) =	vsort.ascd.msk.f32 @!p2 $0xffff, v12, v14;
	_ =	sdelay $0x1  }
0x80: {  	s30 =	spop (v2sf)  }
0x81: {  	p5 =	por p3, p3;
	p4 =	por p3, p3;
	p3 =	slt.s32 s30, $0x1  }
0x82: {  	v12 =	vld.idx.msk [tilespmem:v15+s17+$0x0], $0xffff;
	v14, v15, _ =	vpop @!p0 (xrf1);
	(xrf1) =	vsort.ascd.msk.f32 @!p3 $0xffff, v13, v8  }
0x83: {  	v26 =	vlaneseq.u32 @!p0  }
0x84: {  	v25 =	vmul.u32 @!p0 $0xFFFFFFFF, v26;
	_ =	sdelay $0x1  }
0x85: {  	v23 =	vadd.s32 @!p0 $0xF, v25  }
0x86: {  	s21 =	smov.u32 s23  }
0x87: {  	[smem:$0x7FD] =	sst s24;
	v20 =	vlaneseq.u32 @!p3;
	v8 =	vadd.s32 s21, v6  }
0x88: {  	s31 =	sld [smem:$0x7FD];
	v20 =	vmul.u32 @!p3 $0xFFFFFFFF, v20;
	v13 =	vshll.u32 v8, $0x1  }
0x89: {  	v14 =	vperm.xlane @!p0 v14, v23;
	v15 =	vperm.xlane @!p0 v15, v23;
	v13 =	vand.u32 $0xFFFFFF00, v13;
	v22, v23, _ =	vpop @!p6 (xrf1)  }
0x8a: {  	vm15 =	vle.f32 v12, v4;
	v13 =	vor.u32 v13, v7;
	v16 =	vpsel p2, v16, v22  }
0x8b: {  	p1 =	seq.s32 s31, $0x1;
	v63 =	vmpcnt.ones.xlane vm15;
	v13 =	vor.u32 v3, v13;
	vm0 =	vle.f32 @!p4 v16, v10;
	v21, v22, _ =	vpop @!p6 (xrf1)  }
.Ltmp3:
0x8c: {  	v17 =	vpsel p2, v17, v23;
	v10 =	vsel @!p4 vm0, v16, v10;
	v18 =	vpsel p2, v18, v21;
	(pc) =	sbr.rel @p1 .LBB2_9-.Ltmp3, $4  }
0x8d: {  	v11 =	vsel @!p4 vm0, v17, v11;
	v19 =	vpsel p2, v19, v22;
	vm0 =	vle.f32 @!p4 v18, v10  }
0x8e: {  	v20 =	vadd.s32 @!p3 $0xF, v20;
	v24 =	vsel @!p4 vm0, v10, v18;
	v23 =	vsel @!p4 vm0, v11, v19  }
0x8f: {  	(v2sf) =	vpush v63, $0x0;
	v21 =	vsel @!p4 vm0, v18, v10;
	v11 =	vsel @!p4 vm0, v19, v11;
	(xrf1) =	vsort.ascd.msk.f32 @!p4 $0xffff, v24, v23;
	v10, v22, _ =	vpop @!p3 (xrf1)  }
0x90: {  	p2 =	por p0, p0;
	v13 =	vld.idx.msk [tilespmem:v13+s17+$0x0], $0xffff;
	(xrf1) =	vsort.ascd.msk.f32 @!p4 $0xffff, v21, v11;
	v10 =	vperm.xlane @!p3 v10, v20;
	v11 =	vperm.xlane @!p3 v22, v20  }
0x91: {  	_ =	sdelay $0xb  }
0x92: {  	v6, v7, _ =	vpop @!p5 (xrf1)  }
0x93: {  	v6 =	vpsel p4, v16, v6  }
0x94: {  	vm0 =	vle.f32 v13, v4;
	v7 =	vpsel p4, v17, v7;
	v16, v17, _ =	vpop @!p5 (xrf1);
	vm1 =	vle.f32 @!p2 v6, v14  }
0x95: {  	v20 =	vmpcnt.ones.xlane vm0;
	s22 =	spop (v2sf);
	v16 =	vpsel p4, v18, v16;
	v14 =	vsel @!p2 vm1, v6, v14  }
0x96: {  	p1 =	slt.s32 s22, $0x1;
	v17 =	vpsel p4, v19, v17;
	v15 =	vsel @!p2 vm1, v7, v15;
	vm0 =	vle.f32 @!p2 v16, v14  }
0x97: {  	(v2sf) =	vpush v20, $0x0;
	(xrf1) =	vsort.ascd.msk.f32 @!p1 $0xffff, v12, v9;
	v9 =	vsel @!p2 vm0, v14, v16;
	v12 =	vsel @!p2 vm0, v15, v17  }
0x98: {  	v5 =	vld.idx.msk [tilespmem:v5+s12+$0x0], $0xffff;
	(xrf1) =	vsort.ascd.msk.f32 @!p2 $0xffff, v9, v12  }
0x99: {  	v9 =	vsel @!p2 vm0, v16, v14;
	v12 =	vsel @!p2 vm0, v17, v15  }
0x9a: {  	(xrf1) =	vsort.ascd.msk.f32 @!p2 $0xffff, v9, v12;
	_ =	sdelay $0x1  }
0x9b: {  	v57 =	vmov s21  }
0x9c: {  	v9 =	vadd.s32 v57, v5  }
0x9d: {  	v58 =	vshll.u32 v9, $0x1  }
0x9e: {  	v5 =	vand.u32 $0x7F, v5;
	v12 =	vand.u32 $0xFFFFFF00, v58  }
0x9f: {  	v5 =	vor.u32 v12, v5  }
0xa0: {  	v3 =	vor.u32 v3, v5;
	_ =	sdelay $0x3  }
0xa1: {  	v5, v12, _ =	vpop @!p1 (xrf1)  }
0xa2: {  	s30 =	spop (v2sf);
	v3 =	vld.idx.msk [tilespmem:v3+s17+$0x0], $0xffff;
	v14, v15, _ =	vpop @!p0 (xrf1)  }
0xa3: {  	p5 =	por p3, p3;
	p4 =	slt.s32 s30, $0x1;
	v6 =	vpsel p2, v6, v14  }
0xa4: {  	(xrf1) =	vsort.ascd.msk.f32 @!p4 $0xffff, v13, v8;
	v8, v13, _ =	vpop @!p0 (xrf1);
	vm0 =	vle.f32 @!p5 v6, v10  }
0xa5: {  	v7 =	vpsel p2, v7, v15;
	v8 =	vpsel p2, v16, v8;
	v10 =	vsel @!p5 vm0, v6, v10  }
0xa6: {  	v13 =	vpsel p2, v17, v13;
	v11 =	vsel @!p5 vm0, v7, v11;
	vm0 =	vle.f32 @!p5 v8, v10  }
0xa7: {  	vm15 =	vle.f32 v3, v4;
	v4 =	vsel @!p5 vm0, v10, v8;
	v14 =	vsel @!p5 vm0, v11, v13  }
0xa8: {  	v59 =	vmpcnt.ones.xlane vm15;
	(xrf1) =	vsort.ascd.msk.f32 @!p5 $0xffff, v4, v14  }
0xa9: {  	v4 =	vsel @!p5 vm0, v8, v10;
	v10 =	vsel @!p5 vm0, v13, v11  }
0xaa: {  	(v2sf) =	vpush v59, $0x0;
	(xrf1) =	vsort.ascd.msk.f32 @!p5 $0xffff, v4, v10;
	_ =	sdelay $0x7  }
0xab: {  	v4 =	vlaneseq.u32 @!p1  }
0xac: {  	v4 =	vmul.u32 @!p1 $0xFFFFFFFF, v4;
	_ =	sdelay $0x1  }
0xad: {  	v4 =	vadd.s32 @!p1 $0xF, v4;
	v10, v11, _ =	vpop @!p4 (xrf1)  }
0xae: {  	v5 =	vperm.xlane @!p1 v5, v4;
	v14, v15, _ =	vpop @!p3 (xrf1)  }
0xaf: {  	p2 =	por p1, p1;
	v6 =	vpsel p5, v6, v14  }
0xb0: {  	v4 =	vperm.xlane @!p1 v12, v4;
	v12, v14, _ =	vpop @!p3 (xrf1);
	vm0 =	vle.f32 @!p2 v6, v5  }
0xb1: {  	s31 =	spop (v2sf);
	v7 =	vpsel p5, v7, v15;
	v8 =	vpsel p5, v8, v12;
	v5 =	vsel @!p2 vm0, v6, v5  }
0xb2: {  	p0 =	slt.s32 s31, $0x1;
	v12 =	vpsel p5, v13, v14;
	v4 =	vsel @!p2 vm0, v7, v4;
	vm0 =	vle.f32 @!p2 v8, v5  }
0xb3: {  	(xrf1) =	vsort.ascd.msk.f32 @!p0 $0xffff, v3, v9;
	v3 =	vsel @!p2 vm0, v5, v8;
	v9 =	vsel @!p2 vm0, v4, v12  }
0xb4: {  	(xrf1) =	vsort.ascd.msk.f32 @!p2 $0xffff, v3, v9  }
0xb5: {  	v4 =	vsel @!p2 vm0, v12, v4;
	v3 =	vsel @!p2 vm0, v8, v5  }
0xb6: {  	(xrf1) =	vsort.ascd.msk.f32 @!p2 $0xffff, v3, v4;
	_ =	sdelay $0x7  }
0xb7: {  	v3 =	vlaneseq.u32 @!p4  }
0xb8: {  	v3 =	vmul.u32 @!p4 $0xFFFFFFFF, v3;
	_ =	sdelay $0x1  }
0xb9: {  	v3 =	vadd.s32 @!p4 $0xF, v3;
	v4, v5, _ =	vpop @!p0 (xrf1)  }
0xba: {  	v9 =	vperm.xlane @!p4 v10, v3;
	v10, v13, _ =	vpop @!p1 (xrf1)  }
0xbb: {  	p3 =	por p4, p4;
	v6 =	vpsel p2, v6, v10  }
0xbc: {  	v3 =	vperm.xlane @!p4 v11, v3;
	v10, v11, _ =	vpop @!p1 (xrf1);
	vm0 =	vle.f32 @!p3 v6, v9  }
0xbd: {  	v7 =	vpsel p2, v7, v13;
	v8 =	vpsel p2, v8, v10;
	v9 =	vsel @!p3 vm0, v6, v9  }
0xbe: {  	v10 =	vpsel p2, v12, v11;
	v3 =	vsel @!p3 vm0, v7, v3;
	vm0 =	vle.f32 @!p3 v8, v9  }
0xbf: {  	v11 =	vsel @!p3 vm0, v9, v8;
	v12 =	vsel @!p3 vm0, v3, v10  }
0xc0: {  	(xrf1) =	vsort.ascd.msk.f32 @!p3 $0xffff, v11, v12  }
0xc1: {  	v9 =	vsel @!p3 vm0, v8, v9;
	v3 =	vsel @!p3 vm0, v10, v3  }
0xc2: {  	(xrf1) =	vsort.ascd.msk.f32 @!p3 $0xffff, v9, v3;
	_ =	sdelay $0x7  }
0xc3: {  	v3 =	vlaneseq.u32 @!p0  }
0xc4: {  	v3 =	vmul.u32 @!p0 $0xFFFFFFFF, v3;
	_ =	sdelay $0x1  }
0xc5: {  	v3 =	vadd.s32 @!p0 $0xF, v3  }
0xc6: {  	v4 =	vperm.xlane @!p0 v4, v3;
	v9, v11, _ =	vpop @!p4 (xrf1)  }
0xc7: {  	p1 =	por p0, p0;
	v6 =	vpsel p3, v6, v9  }
0xc8: {  	v3 =	vperm.xlane @!p0 v5, v3;
	v5, v9, _ =	vpop @!p4 (xrf1);
	vm0 =	vle.f32 @!p1 v6, v4  }
0xc9: {  	v7 =	vpsel p3, v7, v11;
	v5 =	vpsel p3, v8, v5;
	v4 =	vsel @!p1 vm0, v6, v4  }
0xca: {  	v8 =	vpsel p3, v10, v9;
	v3 =	vsel @!p1 vm0, v7, v3;
	vm0 =	vle.f32 @!p1 v5, v4  }
0xcb: {  	v9 =	vsel @!p1 vm0, v4, v5;
	v10 =	vsel @!p1 vm0, v3, v8  }
0xcc: {  	v4 =	vsel @!p1 vm0, v5, v4;
	v3 =	vsel @!p1 vm0, v8, v3;
	(xrf1) =	vsort.ascd.msk.f32 @!p1 $0xffff, v9, v10  }
0xcd: {  	(xrf1) =	vsort.ascd.msk.f32 @!p1 $0xffff, v4, v3;
	_ =	sdelay $0xc  }
0xce: {  	v3, v4, _ =	vpop @!p0 (xrf1)  }
0xcf: {  	v9, v10, _ =	vpop @!p0 (xrf1)  }
0xd0: {  	v5 =	vpsel p1, v5, v9  }
0xd1: {  	(xrf0) =	vmin.scan.msk.f32 $0xffff, v5;
	_ =	sdelay $0x5  }
0xd2: {  	v60, _, _ =	vpop (xrf0)  }
0xd3: {  	v9 =	vbroadcast v60, $0xF;
	_ =	sdelay $0x1  }
0xd4: {  	v3 =	vpsel p1, v6, v3;
	v5 =	vsub.f32 v9, v5  }
0xd5: {  	v3 =	vsub.f32 v9, v3  }
0xd6: {  	v5 =	vmul.f32 $1.442695020e+00, v5  }
0xd7: {  	v3 =	vmul.f32 $1.442695020e+00, v3  }
0xd8: {  	v4 =	vpsel p1, v7, v4;
	(erf) = vpow2.f32 v5  }
0xd9: {  	v61 =	vpsel p1, v8, v10;
	(erf) = vpow2.f32 v3;
	_ =	sdelay $0x3  }
0xda: {  	v4 =	vld.idx.msk [tilespmem:v4+s2+$0x0], $0xffff  }
0xdb: {  	v3 =	vld.idx.msk [tilespmem:v61+s2+$0x0], $0xffff;
	_ =	sdelay $0x2  }
0xdc: {  	v5 =	vpop (erf)  }
0xdd: {  	v62 =	vpop (erf)  }
0xde: {  	v3 =	vmul.f32 v3, v5;
	v4 =	vmul.f32 v4, v62;
	_ =	sdelay $0x1  }
0xdf: {  	v3 =	vadd.f32 v4, v3  }
0xe0: {  	v63 =	vadd.f32 v62, v5  }
0xe1: {  	(xrf2) =	vadd.scan.msk.f32 $0xffff, v3  }
0xe2: {  	(xrf2) =	vadd.scan.msk.f32 $0xffff, v63;
	_ =	sdelay $0x8  }
0xe3: {  	v3, _, _ =	vpop (xrf2)  }
0xe4: {  	v4, _, _ =	vpop (xrf2)  }
0xe5: {  	v4 =	vbroadcast v4, $0xF;
	_ =	sdelay $0x1  }
0xe6: {  	(erf) = vrcp.f32 v4;
	_ =	sdelay $0x6  }
0xe7: {  	p0 =	sne.s32 s20, $0x10  }
.Ltmp4:
0xe8: {  	v3 =	vbroadcast v3, $0xF;
	(pc) =	sbr.rel @p0 .LBB2_4-.Ltmp4, $3  }
0xe9: {  	v4 =	vpop (erf)  }
0xea: {  	v3 =	vmul.f32 v3, v4;
	_ =	sdelay $0x1  }
0xeb: {  	[tilespmem:v2+s18+$0x0] =	vst.idx.msk $0x1, v3  }
0xec: {  	s19 =	sadd.s32 $0x1, s19  }
0xed: {  	p0 =	sne.s32 s19, s11  }
.Ltmp5:
0xee: {  	_ = 	snop;
	(pc) =	sbr.rel @p0 .LBB2_1-.Ltmp5, $4  }
0xef: {  	[hbm4b:s10+s2] =	stream.linear.scatter [tilespmem:s18], [sflag:$0x3], $0x10, $0x38;
	[tilespmem:$0x8000] =	vst v63  }
0xf0: {  	_ =	swait.ge [sflag:s14], $0x10  }
0xf1: {  	[sflag:s14] =	ssyncset.done $0x0  }
0xf2: {  	[sflag:s14] =	ssyncadd.s32 $0xFFFFFFF0  }
0xf3: {  	_ =	sfence.sel $0x180000  }
0xf4: {  	[bflag:$0x0] =	sbarrier.arrive $0xFFFF  }
0xf5: {  	p0 =	sne.s32 s1, $0x0;
	_ =	strace $0x90000047  }
0xf6: {  	s0 =	sadd.s32 @!p0 $0x100000, s0;
	[bflag:$0x2] =	sbarrier.arrive $0xFFFF  }
0xf7: {  	[sflag:s0] =	ssyncadd.tile.s32 @!p0 $0x1;
	_ =	shalt  }
.Lfunc_end2:
_tile_overlayer_lowered:
.L_overlay_start_2:
0xf8: {  	(tag) =	ssettag $0x2  }
0xf9: {  	s0 =	rddreg [dreg:$0x0];
	s2 =	stileid.u32  }
0xfa: {  	s1 =	rddreg [dreg:$0x1];
	p0 =	sne.s32 s2, $0x0  }
0xfb: {  	s3 =	rddreg [dreg:$0x2];
	[bflag:$0x3] =	sbarrier.arrive $0xFFFF;
	s2 =	simm.s32 @!p0 $0x1C03  }
0xfc: {  	[timem:s3], [sflag:s2] =	dma.local @!p0 [hbm:s0], s1  }
0xfd: {  	s0 =	simm.s32 @!p0 $0x3  }
0xfe: {  	_ =	swait.ge @!p0 [sflag:s0], s1  }
0xff: {  	s1 =	ssub.s32 @!p0 $0x0, s1;
	[sflag:s0] =	ssyncset.done @!p0 $0x0  }
0x100: {  	[sflag:s0] =	ssyncadd.s32 @!p0 s1  }
0x101: {  	[bflag:$0x3] =	sbarrier.arrive $0xFFFF  }
0x102: {  	_ =	shalt  }

</sc_bundles>
